<compile_context>
chip_gen: v7x
topology: tpu7x:2x2x1
jax: 0.10.2.dev20260603
libtpu: 0.0.44.dev20260713+nightly
codegen_flags: <defaults>
</compile_context>

<pallas_src>
import functools

import jax
import jax.numpy as jnp
from jax import lax
from jax.experimental import pallas as pl
from jax.experimental.pallas import tpu as pltpu
from jax.experimental.pallas import tpu_sc as plsc

NB_CODE = 8192
CODE_DIM = 64
B, N, Q = 32, 2048, 4

NC, NS = 2, 16
NW = NC * NS
NT = N // 128
BLOCKS = NT * Q
PITCH = 129


def _vq_gather(table, idx_p):
    mesh = plsc.VectorSubcoreMesh(core_axis_name="c", subcore_axis_name="s")

    @functools.partial(
        pl.kernel,
        mesh=mesh,
        out_type=jax.ShapeDtypeStruct((B, Q, 8, NT, 8, 128), jnp.float32),
        compiler_params=pltpu.CompilerParams(use_tc_tiling_on_sc=False,
                                             needs_layout_passes=False),
        scratch_types=[
            pltpu.VMEM((NT, Q, 128), jnp.int32),
            pltpu.VMEM((128, CODE_DIM), jnp.float32),
            pltpu.VMEM((128, CODE_DIM), jnp.float32),
            pltpu.VMEM((8, 8, PITCH), jnp.float32),
            pltpu.VMEM((8, 8, PITCH), jnp.float32),
            pltpu.SemaphoreType.DMA,
            pltpu.SemaphoreType.DMA,
            pltpu.SemaphoreType.DMA,
            pltpu.SemaphoreType.DMA,
        ],
    )
    def k(table_hbm, idx_hbm, out_hbm, idx_v, rows_a, rows_b,
          tiles_a, tiles_b, gs_a, gs_b, os_a, os_b):
        wid = lax.axis_index("s") * NC + lax.axis_index("c")
        pltpu.sync_copy(idx_hbm.at[wid], idx_v)

        lane = jax.lax.iota(jnp.int32, 16)
        dr_vec = lane & 7
        dt_base = jax.lax.shift_right_logical(lane, jnp.int32(3))
        dt_vecs = [dt_base + 2 * c for c in range(4)]
        zero16 = lane & 0

        def fire_gather(j, rows, gsem):
            nt = j // Q
            q = j % Q
            pltpu.async_copy(table_hbm.at[idx_v.at[nt, q]], rows, gsem)

        def drain_gather(j, rows, gsem):
            nt = j // Q
            q = j % Q
            pltpu.make_async_copy(table_hbm.at[idx_v.at[nt, q]], rows,
                                  gsem).wait()

        def fire_out(j, tiles, osem):
            nt = j // Q
            q = j % Q
            pltpu.async_copy(tiles.at[:, :, pl.ds(0, 128)],
                             out_hbm.at[wid, q, :, nt], osem)

        def wait_out(j, tiles, osem):
            nt = j // Q
            q = j % Q
            pltpu.make_async_copy(tiles.at[:, :, pl.ds(0, 128)],
                                  out_hbm.at[wid, q, :, nt], osem).wait()

        def transpose(rows, tiles):
            def tbody(i, carry):
                tb = i * 16
                for g in range(4):
                    vs = []
                    for u in range(4):
                        t = tb + g * 4 + u
                        for c in range(4):
                            vs.append((t, c, rows[t, pl.ds(16 * c, 16)]))
                    for t, c, v in vs:
                        plsc.store_scatter(tiles, [dt_vecs[c], dr_vec,
                                                   zero16 + t], v)
                return carry

            lax.fori_loop(0, 8, tbody, 0)

        fire_gather(0, rows_a, gs_a)

        def body(i, carry):
            ja = 2 * i
            jb = ja + 1
            fire_gather(jb, rows_b, gs_b)
            drain_gather(ja, rows_a, gs_a)

            @pl.when(i > 0)
            def _():
                wait_out(ja - 2, tiles_a, os_a)
            transpose(rows_a, tiles_a)
            fire_out(ja, tiles_a, os_a)

            @pl.when(i < BLOCKS // 2 - 1)
            def _():
                fire_gather(ja + 2, rows_a, gs_a)
            drain_gather(jb, rows_b, gs_b)

            @pl.when(i > 0)
            def _():
                wait_out(jb - 2, tiles_b, os_b)
            transpose(rows_b, tiles_b)
            fire_out(jb, tiles_b, os_b)
            return carry

        lax.fori_loop(0, BLOCKS // 2, body, 0)
        wait_out(BLOCKS - 2, tiles_a, os_a)
        wait_out(BLOCKS - 1, tiles_b, os_b)

    return k(table, idx_p)


def kernel(idx, codebook, padding_embedding):
    row = jax.lax.broadcasted_iota(jnp.int32, (NB_CODE, 1), 0)
    table = jnp.where(row == 0, padding_embedding.reshape(1, CODE_DIM),
                      codebook)
    idx_p = jnp.swapaxes(idx.reshape(B, NT, 128, Q), 2, 3)
    out6 = _vq_gather(table, idx_p)
    return jnp.transpose(out6, (0, 3, 5, 1, 2, 4)).reshape(B, N, Q, CODE_DIM)

# --- scband reference (transcript-rebuilt; emitter-appended) ---
"""Pipeline reference for scband-motion-vqembedding-9363028706254 (READ-ONLY COPY).

The authoritative reference and input builder live on the scoring server;
editing this copy changes nothing except your own understanding.
"""

import jax, jax.numpy as jnp
import numpy as np

NB_CODE = 8192
CODE_DIM = 64
PADDING_IDX = 0
TOKEN_SHIFT = 0
B, N, Q = 32, 2048, 4


def setup_inputs(seed: int = 0) -> dict:
    key = jax.random.key(seed)
    k1, k2, k3 = jax.random.split(key, 3)
    idx = jax.random.randint(k1, (B, N, Q), 0, NB_CODE).astype(jnp.int32)
    codebook = jax.random.normal(k2, (NB_CODE, CODE_DIM), dtype=jnp.float32)
    padding_embedding = jax.random.normal(k3, (1, 1, CODE_DIM), dtype=jnp.float32) * 0.02
    return {"idx": idx, "codebook": codebook, "padding_embedding": padding_embedding}


def reference(idx, codebook, padding_embedding):
    # pad_mask: positions equal to padding_idx get the learned padding embedding
    pad_mask = idx == PADDING_IDX  # (B, N, Q)
    # shifted_idx: non-pad tokens are shifted by token_shift; pad positions keep idx
    shifted_idx = jnp.where(pad_mask, idx, idx - TOKEN_SHIFT)
    # vq_model.quantizer.get_codebook_entry -> gather rows of the codebook
    codes = jnp.take(codebook, shifted_idx, axis=0)  # (B, N, Q, CODE_DIM)
    # overwrite padded positions with the padding embedding (broadcast over last dim)
    codes = jnp.where(pad_mask[..., None], padding_embedding.reshape(1, 1, 1, CODE_DIM), codes)
    return codes

if __name__ == "__main__":
    import jax
    _d = setup_inputs()
    print(jax.jit(kernel)(*tuple(_d.values())))

</pallas_src>

<mosaic_0001>
#map = affine_map<(d0, d1) -> (0, 0)>
#map1 = affine_map<(d0, d1) -> (0, 0, 0, 0)>
#map2 = affine_map<(d0, d1) -> (0, 0, 0, 0, 0, 0)>
module attributes {stable_mosaic.version = 14 : i64} {
  func.func @k(%arg0: i32, %arg1: i32, %arg2: memref<8192x64xf32, #tpu.memory_space<hbm>>, %arg3: memref<32x16x4x128xi32, #tpu.memory_space<hbm>>, %arg4: memref<32x4x8x16x8x128xf32, #tpu.memory_space<hbm>>, %arg5: memref<16x4x128xi32, #tpu.memory_space<vmem>>, %arg6: memref<128x64xf32, #tpu.memory_space<vmem>>, %arg7: memref<128x64xf32, #tpu.memory_space<vmem>>, %arg8: memref<8x8x129xf32, #tpu.memory_space<vmem>>, %arg9: memref<8x8x129xf32, #tpu.memory_space<vmem>>, %arg10: memref<!tpu.dma_semaphore, #tpu.memory_space<semaphore_mem>>, %arg11: memref<!tpu.dma_semaphore, #tpu.memory_space<semaphore_mem>>, %arg12: memref<!tpu.dma_semaphore, #tpu.memory_space<semaphore_mem>>, %arg13: memref<!tpu.dma_semaphore, #tpu.memory_space<semaphore_mem>>) attributes {dimension_semantics = [#tpu.dimension_semantics<core_parallel>, #tpu.dimension_semantics<subcore_parallel>], iteration_bounds = array<i64: 2, 16>, scalar_prefetch = 0 : i64, scratch_operands = 9 : i64, tpu.core_type = #tpu.core_type<sc_vector_subcore>, window_params = [{transform_indices = #map}, {transform_indices = #map1}, {transform_indices = #map2}]} {
    %mul3A = arith.constant 2 : i32
    %mul3A_0 = arith.muli %arg1, %mul3A : i32
    %add3A = arith.addi %mul3A_0, %arg0 : i32
    "tpu.region"() ({
      %run_scoped3A = tpu.sem_alloc : memref<!tpu.dma_semaphore, #tpu.memory_space<semaphore_mem>>
      %dma_start3A_71 = arith.constant 0 : i32
      %dma_start3A_72 = arith.constant 0 : i32
      %dma_start3A_73 = arith.constant 0 : i32
      %dma_start3A_74 = tpu.memref_slice %arg3[%add3A, %dma_start3A_71, %dma_start3A_72, %dma_start3A_73] : memref<32x16x4x128xi32, #tpu.memory_space<hbm>> -> memref<1x16x4x128xi32, #tpu.memory_space<hbm>>
      %dma_start3A_75 = tpu.memref_squeeze %dma_start3A_74 : memref<1x16x4x128xi32, #tpu.memory_space<hbm>> -> memref<16x4x128xi32, #tpu.memory_space<hbm>>
      %dma_start3A_76 = arith.constant 0 : i32
      %dma_start3A_77 = arith.constant 0 : i32
      %dma_start3A_78 = arith.constant 0 : i32
      %dma_start3A_79 = tpu.memref_slice %arg3[%add3A, %dma_start3A_76, %dma_start3A_77, %dma_start3A_78] : memref<32x16x4x128xi32, #tpu.memory_space<hbm>> -> memref<1x16x4x128xi32, #tpu.memory_space<hbm>>
      %dma_start3A_80 = tpu.memref_squeeze %dma_start3A_79 : memref<1x16x4x128xi32, #tpu.memory_space<hbm>> -> memref<16x4x128xi32, #tpu.memory_space<hbm>>
      tpu.enqueue_dma source(%dma_start3A_80 : memref<16x4x128xi32, #tpu.memory_space<hbm>>) target(%arg5 : memref<16x4x128xi32, #tpu.memory_space<vmem>>) target_semaphore(%run_scoped3A : memref<!tpu.dma_semaphore, #tpu.memory_space<semaphore_mem>>)
      %dma_wait3A_81 = arith.constant 0 : i32
      %dma_wait3A_82 = arith.constant 0 : i32
      %dma_wait3A_83 = arith.constant 0 : i32
      %dma_wait3A_84 = tpu.memref_slice %arg3[%add3A, %dma_wait3A_81, %dma_wait3A_82, %dma_wait3A_83] : memref<32x16x4x128xi32, #tpu.memory_space<hbm>> -> memref<1x16x4x128xi32, #tpu.memory_space<hbm>>
      %dma_wait3A_85 = tpu.memref_squeeze %dma_wait3A_84 : memref<1x16x4x128xi32, #tpu.memory_space<hbm>> -> memref<16x4x128xi32, #tpu.memory_space<hbm>>
      %dma_wait3A_86 = arith.constant 0 : i32
      %dma_wait3A_87 = arith.constant 0 : i32
      %dma_wait3A_88 = arith.constant 0 : i32
      %dma_wait3A_89 = tpu.memref_slice %arg3[%add3A, %dma_wait3A_86, %dma_wait3A_87, %dma_wait3A_88] : memref<32x16x4x128xi32, #tpu.memory_space<hbm>> -> memref<1x16x4x128xi32, #tpu.memory_space<hbm>>
      %dma_wait3A_90 = tpu.memref_squeeze %dma_wait3A_89 : memref<1x16x4x128xi32, #tpu.memory_space<hbm>> -> memref<16x4x128xi32, #tpu.memory_space<hbm>>
      tpu.wait_dma2 semaphore(%run_scoped3A : memref<!tpu.dma_semaphore, #tpu.memory_space<semaphore_mem>>) src(%dma_wait3A_90 : memref<16x4x128xi32, #tpu.memory_space<hbm>>) dst(%arg5 : memref<16x4x128xi32, #tpu.memory_space<vmem>>)
      tpu.yield
    }) : () -> ()
    %iota3A = tpu.iota {dimensions = array<i32: 0>} : vector<16xi32>
    %and3A = arith.constant 7 : i32
    %and3A_1 = vector.broadcast %and3A : i32 to vector<16xi32>
    %and3A_2 = arith.andi %iota3A, %and3A_1 : vector<16xi32>
    %shift_right_logical3A = arith.constant 3 : i32
    %shift_right_logical3A_3 = vector.broadcast %shift_right_logical3A : i32 to vector<16xi32>
    %shift_right_logical3A_4 = arith.shrui %iota3A, %shift_right_logical3A_3 : vector<16xi32>
    %add3A_5 = arith.constant 0 : i32
    %add3A_6 = vector.broadcast %add3A_5 : i32 to vector<16xi32>
    %add3A_7 = arith.addi %shift_right_logical3A_4, %add3A_6 : vector<16xi32>
    %add3A_8 = arith.constant 2 : i32
    %add3A_9 = vector.broadcast %add3A_8 : i32 to vector<16xi32>
    %add3A_10 = arith.addi %shift_right_logical3A_4, %add3A_9 : vector<16xi32>
    %add3A_11 = arith.constant 4 : i32
    %add3A_12 = vector.broadcast %add3A_11 : i32 to vector<16xi32>
    %add3A_13 = arith.addi %shift_right_logical3A_4, %add3A_12 : vector<16xi32>
    %add3A_14 = arith.constant 6 : i32
    %add3A_15 = vector.broadcast %add3A_14 : i32 to vector<16xi32>
    %add3A_16 = arith.addi %shift_right_logical3A_4, %add3A_15 : vector<16xi32>
    %and3A_17 = arith.constant 0 : i32
    %and3A_18 = vector.broadcast %and3A_17 : i32 to vector<16xi32>
    %and3A_19 = arith.andi %iota3A, %and3A_18 : vector<16xi32>
    %dma_start3A = arith.constant 0 : i32
    %dma_start3A_20 = arith.constant 0 : i32
    %dma_start3A_21 = arith.constant 0 : i32
    %dma_start3A_22 = tpu.memref_slice %arg5[%dma_start3A, %dma_start3A_20, %dma_start3A_21] : memref<16x4x128xi32, #tpu.memory_space<vmem>> -> memref<1x1x128xi32, #tpu.memory_space<vmem>>
    %dma_start3A_23 = tpu.memref_squeeze %dma_start3A_22 : memref<1x1x128xi32, #tpu.memory_space<vmem>> -> memref<128xi32, #tpu.memory_space<vmem>>
    %dma_start3A_24 = arith.constant 0 : i32
    %dma_start3A_25 = arith.constant 0 : i32
    %dma_start3A_26 = tpu.memref_slice %arg2[%dma_start3A_24, %dma_start3A_25] : memref<8192x64xf32, #tpu.memory_space<hbm>> -> memref<8192x64xf32, #tpu.memory_space<hbm>>
    tpu.enqueue_indirect_dma source(%dma_start3A_26 : memref<8192x64xf32, #tpu.memory_space<hbm>>) target(%arg6 : memref<128x64xf32, #tpu.memory_space<vmem>>) offsets(%dma_start3A_23 : memref<128xi32, #tpu.memory_space<vmem>>) semaphore(%arg10 : memref<!tpu.dma_semaphore, #tpu.memory_space<semaphore_mem>>)
    %scan3A = arith.constant 0 : i32
    %scan3A_27 = arith.constant 0 : i32
    %scan3A_28 = arith.constant 32 : i32
    %scan3A_29 = arith.addi %scan3A_27, %scan3A_28 : i32
    %scan3A_30 = arith.constant 1 : i32
    scf.for %scan3A_71 = %scan3A_27 to %scan3A_29 step %scan3A_30  : i32 {
      %mul3A_72 = arith.constant 2 : i32
      %mul3A_73 = arith.muli %mul3A_72, %scan3A_71 : i32
      %add3A_74 = arith.constant 1 : i32
      %add3A_75 = arith.addi %mul3A_73, %add3A_74 : i32
      %jit3A = arith.constant 4 : i32
      %div3A = arith.divsi %add3A_75, %jit3A : i32
      %sign3A = arith.constant 0 : i32
      %sign3A_76 = arith.cmpi sgt, %add3A_75, %sign3A : i32
      %sign3A_77 = arith.extui %sign3A_76 : i1 to i32
      %sign3A_78 = arith.constant 0 : i32
      %sign3A_79 = arith.cmpi slt, %add3A_75, %sign3A_78 : i32
      %sign3A_80 = arith.extui %sign3A_79 : i1 to i32
      %sign3A_81 = arith.subi %sign3A_77, %sign3A_80 : i32
      %sign3A_82 = arith.constant 0 : i32
      %sign3A_83 = arith.cmpi sgt, %jit3A, %sign3A_82 : i32
      %sign3A_84 = arith.extui %sign3A_83 : i1 to i32
      %sign3A_85 = arith.constant 0 : i32
      %sign3A_86 = arith.cmpi slt, %jit3A, %sign3A_85 : i32
      %sign3A_87 = arith.extui %sign3A_86 : i1 to i32
      %sign3A_88 = arith.subi %sign3A_84, %sign3A_87 : i32
      %ne3A = arith.cmpi ne, %sign3A_81, %sign3A_88 : i32
      %rem3A = arith.remsi %add3A_75, %jit3A : i32
      %ne3A_89 = arith.constant 0 : i32
      %ne3A_90 = arith.cmpi ne, %rem3A, %ne3A_89 : i32
      %and3A_91 = arith.andi %ne3A, %ne3A_90 : i1
      %sub3A = arith.constant 1 : i32
      %sub3A_92 = arith.subi %div3A, %sub3A : i32
      %select_n3A = arith.select %and3A_91, %sub3A_92, %div3A : i32
      %jit3A_93 = arith.constant 4 : i32
      %eq3A = arith.constant 0 : i32
      %eq3A_94 = arith.cmpi eq, %jit3A_93, %eq3A : i32
      %jit3A_95 = arith.constant 1 : i32
      %select_n3A_96 = arith.select %eq3A_94, %jit3A_95, %jit3A_93 : i32
      %rem3A_97 = arith.remsi %add3A_75, %select_n3A_96 : i32
      %ne3A_98 = arith.constant 0 : i32
      %ne3A_99 = arith.cmpi ne, %rem3A_97, %ne3A_98 : i32
      %lt3A = arith.constant 0 : i32
      %lt3A_100 = arith.cmpi slt, %rem3A_97, %lt3A : i32
      %lt3A_101 = arith.constant 0 : i32
      %lt3A_102 = arith.cmpi slt, %select_n3A_96, %lt3A_101 : i32
      %ne3A_103 = arith.xori %lt3A_100, %lt3A_102 : i1
      %and3A_104 = arith.andi %ne3A_103, %ne3A_99 : i1
      %add3A_105 = arith.addi %rem3A_97, %select_n3A_96 : i32
      %select_n3A_106 = arith.select %and3A_104, %add3A_105, %rem3A_97 : i32
      %dma_start3A_107 = arith.constant 0 : i32
      %dma_start3A_108 = tpu.memref_slice %arg5[%select_n3A, %select_n3A_106, %dma_start3A_107] : memref<16x4x128xi32, #tpu.memory_space<vmem>> -> memref<1x1x128xi32, #tpu.memory_space<vmem>>
      %dma_start3A_109 = tpu.memref_squeeze %dma_start3A_108 : memref<1x1x128xi32, #tpu.memory_space<vmem>> -> memref<128xi32, #tpu.memory_space<vmem>>
      %dma_start3A_110 = arith.constant 0 : i32
      %dma_start3A_111 = arith.constant 0 : i32
      %dma_start3A_112 = tpu.memref_slice %arg2[%dma_start3A_110, %dma_start3A_111] : memref<8192x64xf32, #tpu.memory_space<hbm>> -> memref<8192x64xf32, #tpu.memory_space<hbm>>
      tpu.enqueue_indirect_dma source(%dma_start3A_112 : memref<8192x64xf32, #tpu.memory_space<hbm>>) target(%arg7 : memref<128x64xf32, #tpu.memory_space<vmem>>) offsets(%dma_start3A_109 : memref<128xi32, #tpu.memory_space<vmem>>) semaphore(%arg11 : memref<!tpu.dma_semaphore, #tpu.memory_space<semaphore_mem>>)
      %jit3A_113 = arith.constant 4 : i32
      %div3A_114 = arith.divsi %mul3A_73, %jit3A_113 : i32
      %sign3A_115 = arith.constant 0 : i32
      %sign3A_116 = arith.cmpi sgt, %mul3A_73, %sign3A_115 : i32
      %sign3A_117 = arith.extui %sign3A_116 : i1 to i32
      %sign3A_118 = arith.constant 0 : i32
      %sign3A_119 = arith.cmpi slt, %mul3A_73, %sign3A_118 : i32
      %sign3A_120 = arith.extui %sign3A_119 : i1 to i32
      %sign3A_121 = arith.subi %sign3A_117, %sign3A_120 : i32
      %sign3A_122 = arith.constant 0 : i32
      %sign3A_123 = arith.cmpi sgt, %jit3A_113, %sign3A_122 : i32
      %sign3A_124 = arith.extui %sign3A_123 : i1 to i32
      %sign3A_125 = arith.constant 0 : i32
      %sign3A_126 = arith.cmpi slt, %jit3A_113, %sign3A_125 : i32
      %sign3A_127 = arith.extui %sign3A_126 : i1 to i32
      %sign3A_128 = arith.subi %sign3A_124, %sign3A_127 : i32
      %ne3A_129 = arith.cmpi ne, %sign3A_121, %sign3A_128 : i32
      %rem3A_130 = arith.remsi %mul3A_73, %jit3A_113 : i32
      %ne3A_131 = arith.constant 0 : i32
      %ne3A_132 = arith.cmpi ne, %rem3A_130, %ne3A_131 : i32
      %and3A_133 = arith.andi %ne3A_129, %ne3A_132 : i1
      %sub3A_134 = arith.constant 1 : i32
      %sub3A_135 = arith.subi %div3A_114, %sub3A_134 : i32
      %select_n3A_136 = arith.select %and3A_133, %sub3A_135, %div3A_114 : i32
      %jit3A_137 = arith.constant 4 : i32
      %eq3A_138 = arith.constant 0 : i32
      %eq3A_139 = arith.cmpi eq, %jit3A_137, %eq3A_138 : i32
      %jit3A_140 = arith.constant 1 : i32
      %select_n3A_141 = arith.select %eq3A_139, %jit3A_140, %jit3A_137 : i32
      %rem3A_142 = arith.remsi %mul3A_73, %select_n3A_141 : i32
      %ne3A_143 = arith.constant 0 : i32
      %ne3A_144 = arith.cmpi ne, %rem3A_142, %ne3A_143 : i32
      %lt3A_145 = arith.constant 0 : i32
      %lt3A_146 = arith.cmpi slt, %rem3A_142, %lt3A_145 : i32
      %lt3A_147 = arith.constant 0 : i32
      %lt3A_148 = arith.cmpi slt, %select_n3A_141, %lt3A_147 : i32
      %ne3A_149 = arith.xori %lt3A_146, %lt3A_148 : i1
      %and3A_150 = arith.andi %ne3A_149, %ne3A_144 : i1
      %add3A_151 = arith.addi %rem3A_142, %select_n3A_141 : i32
      %select_n3A_152 = arith.select %and3A_150, %add3A_151, %rem3A_142 : i32
      %dma_wait3A_153 = arith.constant 0 : i32
      %dma_wait3A_154 = tpu.memref_slice %arg5[%select_n3A_136, %select_n3A_152, %dma_wait3A_153] : memref<16x4x128xi32, #tpu.memory_space<vmem>> -> memref<1x1x128xi32, #tpu.memory_space<vmem>>
      %dma_wait3A_155 = tpu.memref_squeeze %dma_wait3A_154 : memref<1x1x128xi32, #tpu.memory_space<vmem>> -> memref<128xi32, #tpu.memory_space<vmem>>
      %dma_wait3A_156 = arith.constant 0 : i32
      %dma_wait3A_157 = arith.constant 0 : i32
      %dma_wait3A_158 = tpu.memref_slice %arg2[%dma_wait3A_156, %dma_wait3A_157] : memref<8192x64xf32, #tpu.memory_space<hbm>> -> memref<8192x64xf32, #tpu.memory_space<hbm>>
      tpu.wait_indirect_dma semaphore(%arg10 : memref<!tpu.dma_semaphore, #tpu.memory_space<semaphore_mem>>) src(%dma_wait3A_158 : memref<8192x64xf32, #tpu.memory_space<hbm>>) dst(%arg6 : memref<128x64xf32, #tpu.memory_space<vmem>>)
      %gt3A = arith.constant 0 : i32
      %gt3A_159 = arith.cmpi sgt, %scan3A_71, %gt3A : i32
      %convert_element_type3A = arith.extui %gt3A_159 : i1 to i32
      %cond3A = arith.constant 0 : i32
      %cond3A_160 = arith.cmpi ne, %convert_element_type3A, %cond3A : i32
      scf.if %cond3A_160 {
        %sub3A_345 = arith.constant 2 : i32
        %sub3A_346 = arith.subi %mul3A_73, %sub3A_345 : i32
        %jit3A_347 = arith.constant 4 : i32
        %div3A_348 = arith.divsi %sub3A_346, %jit3A_347 : i32
        %sign3A_349 = arith.constant 0 : i32
        %sign3A_350 = arith.cmpi sgt, %sub3A_346, %sign3A_349 : i32
        %sign3A_351 = arith.extui %sign3A_350 : i1 to i32
        %sign3A_352 = arith.constant 0 : i32
        %sign3A_353 = arith.cmpi slt, %sub3A_346, %sign3A_352 : i32
        %sign3A_354 = arith.extui %sign3A_353 : i1 to i32
        %sign3A_355 = arith.subi %sign3A_351, %sign3A_354 : i32
        %sign3A_356 = arith.constant 0 : i32
        %sign3A_357 = arith.cmpi sgt, %jit3A_347, %sign3A_356 : i32
        %sign3A_358 = arith.extui %sign3A_357 : i1 to i32
        %sign3A_359 = arith.constant 0 : i32
        %sign3A_360 = arith.cmpi slt, %jit3A_347, %sign3A_359 : i32
        %sign3A_361 = arith.extui %sign3A_360 : i1 to i32
        %sign3A_362 = arith.subi %sign3A_358, %sign3A_361 : i32
        %ne3A_363 = arith.cmpi ne, %sign3A_355, %sign3A_362 : i32
        %rem3A_364 = arith.remsi %sub3A_346, %jit3A_347 : i32
        %ne3A_365 = arith.constant 0 : i32
        %ne3A_366 = arith.cmpi ne, %rem3A_364, %ne3A_365 : i32
        %and3A_367 = arith.andi %ne3A_363, %ne3A_366 : i1
        %sub3A_368 = arith.constant 1 : i32
        %sub3A_369 = arith.subi %div3A_348, %sub3A_368 : i32
        %select_n3A_370 = arith.select %and3A_367, %sub3A_369, %div3A_348 : i32
        %jit3A_371 = arith.constant 4 : i32
        %eq3A_372 = arith.constant 0 : i32
        %eq3A_373 = arith.cmpi eq, %jit3A_371, %eq3A_372 : i32
        %jit3A_374 = arith.constant 1 : i32
        %select_n3A_375 = arith.select %eq3A_373, %jit3A_374, %jit3A_371 : i32
        %rem3A_376 = arith.remsi %sub3A_346, %select_n3A_375 : i32
        %ne3A_377 = arith.constant 0 : i32
        %ne3A_378 = arith.cmpi ne, %rem3A_376, %ne3A_377 : i32
        %lt3A_379 = arith.constant 0 : i32
        %lt3A_380 = arith.cmpi slt, %rem3A_376, %lt3A_379 : i32
        %lt3A_381 = arith.constant 0 : i32
        %lt3A_382 = arith.cmpi slt, %select_n3A_375, %lt3A_381 : i32
        %ne3A_383 = arith.xori %lt3A_380, %lt3A_382 : i1
        %and3A_384 = arith.andi %ne3A_383, %ne3A_378 : i1
        %add3A_385 = arith.addi %rem3A_376, %select_n3A_375 : i32
        %select_n3A_386 = arith.select %and3A_384, %add3A_385, %rem3A_376 : i32
        %dma_wait3A_387 = arith.constant 0 : i32
        %dma_wait3A_388 = arith.constant 0 : i32
        %dma_wait3A_389 = arith.constant 0 : i32
        %dma_wait3A_390 = tpu.memref_slice %arg8[%dma_wait3A_387, %dma_wait3A_388, %dma_wait3A_389] : memref<8x8x129xf32, #tpu.memory_space<vmem>> -> memref<8x8x128xf32, #tpu.memory_space<vmem>>
        %dma_wait3A_391 = arith.constant 0 : i32
        %dma_wait3A_392 = arith.constant 0 : i32
        %dma_wait3A_393 = arith.constant 0 : i32
        %dma_wait3A_394 = tpu.memref_slice %arg4[%add3A, %select_n3A_386, %dma_wait3A_391, %select_n3A_370, %dma_wait3A_392, %dma_wait3A_393] : memref<32x4x8x16x8x128xf32, #tpu.memory_space<hbm>> -> memref<1x1x8x1x8x128xf32, #tpu.memory_space<hbm>>
        %dma_wait3A_395 = tpu.memref_squeeze %dma_wait3A_394 : memref<1x1x8x1x8x128xf32, #tpu.memory_space<hbm>> -> memref<8x8x128xf32, #tpu.memory_space<hbm>>
        %dma_wait3A_396 = arith.constant 0 : i32
        %dma_wait3A_397 = arith.constant 0 : i32
        %dma_wait3A_398 = arith.constant 0 : i32
        %dma_wait3A_399 = tpu.memref_slice %arg4[%add3A, %select_n3A_386, %dma_wait3A_396, %select_n3A_370, %dma_wait3A_397, %dma_wait3A_398] : memref<32x4x8x16x8x128xf32, #tpu.memory_space<hbm>> -> memref<1x1x8x1x8x128xf32, #tpu.memory_space<hbm>>
        %dma_wait3A_400 = tpu.memref_squeeze %dma_wait3A_399 : memref<1x1x8x1x8x128xf32, #tpu.memory_space<hbm>> -> memref<8x8x128xf32, #tpu.memory_space<hbm>>
        %dma_wait3A_401 = arith.constant 0 : i32
        %dma_wait3A_402 = arith.constant 0 : i32
        %dma_wait3A_403 = arith.constant 0 : i32
        %dma_wait3A_404 = tpu.memref_slice %arg8[%dma_wait3A_401, %dma_wait3A_402, %dma_wait3A_403] : memref<8x8x129xf32, #tpu.memory_space<vmem>> -> memref<8x8x128xf32, #tpu.memory_space<vmem>>
        tpu.wait_dma2 semaphore(%arg12 : memref<!tpu.dma_semaphore, #tpu.memory_space<semaphore_mem>>) src(%dma_wait3A_404 : memref<8x8x128xf32, #tpu.memory_space<vmem>>) dst(%dma_wait3A_400 : memref<8x8x128xf32, #tpu.memory_space<hbm>>)
      } else {
      }
      %scan3A_161 = arith.constant 0 : i32
      %scan3A_162 = arith.constant 0 : i32
      %scan3A_163 = arith.constant 8 : i32
      %scan3A_164 = arith.addi %scan3A_162, %scan3A_163 : i32
      %scan3A_165 = arith.constant 1 : i32
      scf.for %scan3A_345 = %scan3A_162 to %scan3A_164 step %scan3A_165  : i32 {
        %mul3A_346 = arith.constant 16 : i32
        %mul3A_347 = arith.muli %scan3A_345, %mul3A_346 : i32
        %add3A_348 = arith.constant 0 : i32
        %add3A_349 = arith.addi %mul3A_347, %add3A_348 : i32
        %add3A_350 = arith.constant 0 : i32
        %add3A_351 = arith.addi %add3A_349, %add3A_350 : i32
        %get3A = arith.index_cast %add3A_351 : i32 to index
        %get3A_352 = arith.constant 0 : index
        %get3A_353 = tpu.vector_load %arg6[%get3A, %get3A_352] {strides = array<i32>} : memref<128x64xf32, #tpu.memory_space<vmem>>, vector<16xf32>,
        %get3A_354 = arith.index_cast %add3A_351 : i32 to index
        %get3A_355 = arith.constant 16 : index
        %get3A_356 = tpu.vector_load %arg6[%get3A_354, %get3A_355] {strides = array<i32>} : memref<128x64xf32, #tpu.memory_space<vmem>>, vector<16xf32>,
        %get3A_357 = arith.index_cast %add3A_351 : i32 to index
        %get3A_358 = arith.constant 32 : index
        %get3A_359 = tpu.vector_load %arg6[%get3A_357, %get3A_358] {strides = array<i32>} : memref<128x64xf32, #tpu.memory_space<vmem>>, vector<16xf32>,
        %get3A_360 = arith.index_cast %add3A_351 : i32 to index
        %get3A_361 = arith.constant 48 : index
        %get3A_362 = tpu.vector_load %arg6[%get3A_360, %get3A_361] {strides = array<i32>} : memref<128x64xf32, #tpu.memory_space<vmem>>, vector<16xf32>,
        %add3A_363 = arith.constant 0 : i32
        %add3A_364 = arith.addi %mul3A_347, %add3A_363 : i32
        %add3A_365 = arith.constant 1 : i32
        %add3A_366 = arith.addi %add3A_364, %add3A_365 : i32
        %get3A_367 = arith.index_cast %add3A_366 : i32 to index
        %get3A_368 = arith.constant 0 : index
        %get3A_369 = tpu.vector_load %arg6[%get3A_367, %get3A_368] {strides = array<i32>} : memref<128x64xf32, #tpu.memory_space<vmem>>, vector<16xf32>,
        %get3A_370 = arith.index_cast %add3A_366 : i32 to index
        %get3A_371 = arith.constant 16 : index
        %get3A_372 = tpu.vector_load %arg6[%get3A_370, %get3A_371] {strides = array<i32>} : memref<128x64xf32, #tpu.memory_space<vmem>>, vector<16xf32>,
        %get3A_373 = arith.index_cast %add3A_366 : i32 to index
        %get3A_374 = arith.constant 32 : index
        %get3A_375 = tpu.vector_load %arg6[%get3A_373, %get3A_374] {strides = array<i32>} : memref<128x64xf32, #tpu.memory_space<vmem>>, vector<16xf32>,
        %get3A_376 = arith.index_cast %add3A_366 : i32 to index
        %get3A_377 = arith.constant 48 : index
        %get3A_378 = tpu.vector_load %arg6[%get3A_376, %get3A_377] {strides = array<i32>} : memref<128x64xf32, #tpu.memory_space<vmem>>, vector<16xf32>,
        %add3A_379 = arith.constant 0 : i32
        %add3A_380 = arith.addi %mul3A_347, %add3A_379 : i32
        %add3A_381 = arith.constant 2 : i32
        %add3A_382 = arith.addi %add3A_380, %add3A_381 : i32
        %get3A_383 = arith.index_cast %add3A_382 : i32 to index
        %get3A_384 = arith.constant 0 : index
        %get3A_385 = tpu.vector_load %arg6[%get3A_383, %get3A_384] {strides = array<i32>} : memref<128x64xf32, #tpu.memory_space<vmem>>, vector<16xf32>,
        %get3A_386 = arith.index_cast %add3A_382 : i32 to index
        %get3A_387 = arith.constant 16 : index
        %get3A_388 = tpu.vector_load %arg6[%get3A_386, %get3A_387] {strides = array<i32>} : memref<128x64xf32, #tpu.memory_space<vmem>>, vector<16xf32>,
        %get3A_389 = arith.index_cast %add3A_382 : i32 to index
        %get3A_390 = arith.constant 32 : index
        %get3A_391 = tpu.vector_load %arg6[%get3A_389, %get3A_390] {strides = array<i32>} : memref<128x64xf32, #tpu.memory_space<vmem>>, vector<16xf32>,
        %get3A_392 = arith.index_cast %add3A_382 : i32 to index
        %get3A_393 = arith.constant 48 : index
        %get3A_394 = tpu.vector_load %arg6[%get3A_392, %get3A_393] {strides = array<i32>} : memref<128x64xf32, #tpu.memory_space<vmem>>, vector<16xf32>,
        %add3A_395 = arith.constant 0 : i32
        %add3A_396 = arith.addi %mul3A_347, %add3A_395 : i32
        %add3A_397 = arith.constant 3 : i32
        %add3A_398 = arith.addi %add3A_396, %add3A_397 : i32
        %get3A_399 = arith.index_cast %add3A_398 : i32 to index
        %get3A_400 = arith.constant 0 : index
        %get3A_401 = tpu.vector_load %arg6[%get3A_399, %get3A_400] {strides = array<i32>} : memref<128x64xf32, #tpu.memory_space<vmem>>, vector<16xf32>,
        %get3A_402 = arith.index_cast %add3A_398 : i32 to index
        %get3A_403 = arith.constant 16 : index
        %get3A_404 = tpu.vector_load %arg6[%get3A_402, %get3A_403] {strides = array<i32>} : memref<128x64xf32, #tpu.memory_space<vmem>>, vector<16xf32>,
        %get3A_405 = arith.index_cast %add3A_398 : i32 to index
        %get3A_406 = arith.constant 32 : index
        %get3A_407 = tpu.vector_load %arg6[%get3A_405, %get3A_406] {strides = array<i32>} : memref<128x64xf32, #tpu.memory_space<vmem>>, vector<16xf32>,
        %get3A_408 = arith.index_cast %add3A_398 : i32 to index
        %get3A_409 = arith.constant 48 : index
        %get3A_410 = tpu.vector_load %arg6[%get3A_408, %get3A_409] {strides = array<i32>} : memref<128x64xf32, #tpu.memory_space<vmem>>, vector<16xf32>,
        %add3A_411 = vector.broadcast %add3A_351 : i32 to vector<16xi32>
        %add3A_412 = arith.addi %and3A_19, %add3A_411 : vector<16xi32>
        tpu.vector_store_idx %arg8[%add3A_7, %and3A_2, %add3A_412], %get3A_353 : memref<8x8x129xf32, #tpu.memory_space<vmem>>[vector<16xi32>, vector<16xi32>, vector<16xi32>], vector<16xf32>,
        %add3A_413 = vector.broadcast %add3A_351 : i32 to vector<16xi32>
        %add3A_414 = arith.addi %and3A_19, %add3A_413 : vector<16xi32>
        tpu.vector_store_idx %arg8[%add3A_10, %and3A_2, %add3A_414], %get3A_356 : memref<8x8x129xf32, #tpu.memory_space<vmem>>[vector<16xi32>, vector<16xi32>, vector<16xi32>], vector<16xf32>,
        %add3A_415 = vector.broadcast %add3A_351 : i32 to vector<16xi32>
        %add3A_416 = arith.addi %and3A_19, %add3A_415 : vector<16xi32>
        tpu.vector_store_idx %arg8[%add3A_13, %and3A_2, %add3A_416], %get3A_359 : memref<8x8x129xf32, #tpu.memory_space<vmem>>[vector<16xi32>, vector<16xi32>, vector<16xi32>], vector<16xf32>,
        %add3A_417 = vector.broadcast %add3A_351 : i32 to vector<16xi32>
        %add3A_418 = arith.addi %and3A_19, %add3A_417 : vector<16xi32>
        tpu.vector_store_idx %arg8[%add3A_16, %and3A_2, %add3A_418], %get3A_362 : memref<8x8x129xf32, #tpu.memory_space<vmem>>[vector<16xi32>, vector<16xi32>, vector<16xi32>], vector<16xf32>,
        %add3A_419 = vector.broadcast %add3A_366 : i32 to vector<16xi32>
        %add3A_420 = arith.addi %and3A_19, %add3A_419 : vector<16xi32>
        tpu.vector_store_idx %arg8[%add3A_7, %and3A_2, %add3A_420], %get3A_369 : memref<8x8x129xf32, #tpu.memory_space<vmem>>[vector<16xi32>, vector<16xi32>, vector<16xi32>], vector<16xf32>,
        %add3A_421 = vector.broadcast %add3A_366 : i32 to vector<16xi32>
        %add3A_422 = arith.addi %and3A_19, %add3A_421 : vector<16xi32>
        tpu.vector_store_idx %arg8[%add3A_10, %and3A_2, %add3A_422], %get3A_372 : memref<8x8x129xf32, #tpu.memory_space<vmem>>[vector<16xi32>, vector<16xi32>, vector<16xi32>], vector<16xf32>,
        %add3A_423 = vector.broadcast %add3A_366 : i32 to vector<16xi32>
        %add3A_424 = arith.addi %and3A_19, %add3A_423 : vector<16xi32>
        tpu.vector_store_idx %arg8[%add3A_13, %and3A_2, %add3A_424], %get3A_375 : memref<8x8x129xf32, #tpu.memory_space<vmem>>[vector<16xi32>, vector<16xi32>, vector<16xi32>], vector<16xf32>,
        %add3A_425 = vector.broadcast %add3A_366 : i32 to vector<16xi32>
        %add3A_426 = arith.addi %and3A_19, %add3A_425 : vector<16xi32>
        tpu.vector_store_idx %arg8[%add3A_16, %and3A_2, %add3A_426], %get3A_378 : memref<8x8x129xf32, #tpu.memory_space<vmem>>[vector<16xi32>, vector<16xi32>, vector<16xi32>], vector<16xf32>,
        %add3A_427 = vector.broadcast %add3A_382 : i32 to vector<16xi32>
        %add3A_428 = arith.addi %and3A_19, %add3A_427 : vector<16xi32>
        tpu.vector_store_idx %arg8[%add3A_7, %and3A_2, %add3A_428], %get3A_385 : memref<8x8x129xf32, #tpu.memory_space<vmem>>[vector<16xi32>, vector<16xi32>, vector<16xi32>], vector<16xf32>,
        %add3A_429 = vector.broadcast %add3A_382 : i32 to vector<16xi32>
        %add3A_430 = arith.addi %and3A_19, %add3A_429 : vector<16xi32>
        tpu.vector_store_idx %arg8[%add3A_10, %and3A_2, %add3A_430], %get3A_388 : memref<8x8x129xf32, #tpu.memory_space<vmem>>[vector<16xi32>, vector<16xi32>, vector<16xi32>], vector<16xf32>,
        %add3A_431 = vector.broadcast %add3A_382 : i32 to vector<16xi32>
        %add3A_432 = arith.addi %and3A_19, %add3A_431 : vector<16xi32>
        tpu.vector_store_idx %arg8[%add3A_13, %and3A_2, %add3A_432], %get3A_391 : memref<8x8x129xf32, #tpu.memory_space<vmem>>[vector<16xi32>, vector<16xi32>, vector<16xi32>], vector<16xf32>,
        %add3A_433 = vector.broadcast %add3A_382 : i32 to vector<16xi32>
        %add3A_434 = arith.addi %and3A_19, %add3A_433 : vector<16xi32>
        tpu.vector_store_idx %arg8[%add3A_16, %and3A_2, %add3A_434], %get3A_394 : memref<8x8x129xf32, #tpu.memory_space<vmem>>[vector<16xi32>, vector<16xi32>, vector<16xi32>], vector<16xf32>,
        %add3A_435 = vector.broadcast %add3A_398 : i32 to vector<16xi32>
        %add3A_436 = arith.addi %and3A_19, %add3A_435 : vector<16xi32>
        tpu.vector_store_idx %arg8[%add3A_7, %and3A_2, %add3A_436], %get3A_401 : memref<8x8x129xf32, #tpu.memory_space<vmem>>[vector<16xi32>, vector<16xi32>, vector<16xi32>], vector<16xf32>,
        %add3A_437 = vector.broadcast %add3A_398 : i32 to vector<16xi32>
        %add3A_438 = arith.addi %and3A_19, %add3A_437 : vector<16xi32>
        tpu.vector_store_idx %arg8[%add3A_10, %and3A_2, %add3A_438], %get3A_404 : memref<8x8x129xf32, #tpu.memory_space<vmem>>[vector<16xi32>, vector<16xi32>, vector<16xi32>], vector<16xf32>,
        %add3A_439 = vector.broadcast %add3A_398 : i32 to vector<16xi32>
        %add3A_440 = arith.addi %and3A_19, %add3A_439 : vector<16xi32>
        tpu.vector_store_idx %arg8[%add3A_13, %and3A_2, %add3A_440], %get3A_407 : memref<8x8x129xf32, #tpu.memory_space<vmem>>[vector<16xi32>, vector<16xi32>, vector<16xi32>], vector<16xf32>,
        %add3A_441 = vector.broadcast %add3A_398 : i32 to vector<16xi32>
        %add3A_442 = arith.addi %and3A_19, %add3A_441 : vector<16xi32>
        tpu.vector_store_idx %arg8[%add3A_16, %and3A_2, %add3A_442], %get3A_410 : memref<8x8x129xf32, #tpu.memory_space<vmem>>[vector<16xi32>, vector<16xi32>, vector<16xi32>], vector<16xf32>,
        %add3A_443 = arith.constant 4 : i32
        %add3A_444 = arith.addi %mul3A_347, %add3A_443 : i32
        %add3A_445 = arith.constant 0 : i32
        %add3A_446 = arith.addi %add3A_444, %add3A_445 : i32
        %get3A_447 = arith.index_cast %add3A_446 : i32 to index
        %get3A_448 = arith.constant 0 : index
        %get3A_449 = tpu.vector_load %arg6[%get3A_447, %get3A_448] {strides = array<i32>} : memref<128x64xf32, #tpu.memory_space<vmem>>, vector<16xf32>,
        %get3A_450 = arith.index_cast %add3A_446 : i32 to index
        %get3A_451 = arith.constant 16 : index
        %get3A_452 = tpu.vector_load %arg6[%get3A_450, %get3A_451] {strides = array<i32>} : memref<128x64xf32, #tpu.memory_space<vmem>>, vector<16xf32>,
        %get3A_453 = arith.index_cast %add3A_446 : i32 to index
        %get3A_454 = arith.constant 32 : index
        %get3A_455 = tpu.vector_load %arg6[%get3A_453, %get3A_454] {strides = array<i32>} : memref<128x64xf32, #tpu.memory_space<vmem>>, vector<16xf32>,
        %get3A_456 = arith.index_cast %add3A_446 : i32 to index
        %get3A_457 = arith.constant 48 : index
        %get3A_458 = tpu.vector_load %arg6[%get3A_456, %get3A_457] {strides = array<i32>} : memref<128x64xf32, #tpu.memory_space<vmem>>, vector<16xf32>,
        %add3A_459 = arith.constant 4 : i32
        %add3A_460 = arith.addi %mul3A_347, %add3A_459 : i32
        %add3A_461 = arith.constant 1 : i32
        %add3A_462 = arith.addi %add3A_460, %add3A_461 : i32
        %get3A_463 = arith.index_cast %add3A_462 : i32 to index
        %get3A_464 = arith.constant 0 : index
        %get3A_465 = tpu.vector_load %arg6[%get3A_463, %get3A_464] {strides = array<i32>} : memref<128x64xf32, #tpu.memory_space<vmem>>, vector<16xf32>,
        %get3A_466 = arith.index_cast %add3A_462 : i32 to index
        %get3A_467 = arith.constant 16 : index
        %get3A_468 = tpu.vector_load %arg6[%get3A_466, %get3A_467] {strides = array<i32>} : memref<128x64xf32, #tpu.memory_space<vmem>>, vector<16xf32>,
        %get3A_469 = arith.index_cast %add3A_462 : i32 to index
        %get3A_470 = arith.constant 32 : index
        %get3A_471 = tpu.vector_load %arg6[%get3A_469, %get3A_470] {strides = array<i32>} : memref<128x64xf32, #tpu.memory_space<vmem>>, vector<16xf32>,
        %get3A_472 = arith.index_cast %add3A_462 : i32 to index
        %get3A_473 = arith.constant 48 : index
        %get3A_474 = tpu.vector_load %arg6[%get3A_472, %get3A_473] {strides = array<i32>} : memref<128x64xf32, #tpu.memory_space<vmem>>, vector<16xf32>,
        %add3A_475 = arith.constant 4 : i32
        %add3A_476 = arith.addi %mul3A_347, %add3A_475 : i32
        %add3A_477 = arith.constant 2 : i32
        %add3A_478 = arith.addi %add3A_476, %add3A_477 : i32
        %get3A_479 = arith.index_cast %add3A_478 : i32 to index
        %get3A_480 = arith.constant 0 : index
        %get3A_481 = tpu.vector_load %arg6[%get3A_479, %get3A_480] {strides = array<i32>} : memref<128x64xf32, #tpu.memory_space<vmem>>, vector<16xf32>,
        %get3A_482 = arith.index_cast %add3A_478 : i32 to index
        %get3A_483 = arith.constant 16 : index
        %get3A_484 = tpu.vector_load %arg6[%get3A_482, %get3A_483] {strides = array<i32>} : memref<128x64xf32, #tpu.memory_space<vmem>>, vector<16xf32>,
        %get3A_485 = arith.index_cast %add3A_478 : i32 to index
        %get3A_486 = arith.constant 32 : index
        %get3A_487 = tpu.vector_load %arg6[%get3A_485, %get3A_486] {strides = array<i32>} : memref<128x64xf32, #tpu.memory_space<vmem>>, vector<16xf32>,
        %get3A_488 = arith.index_cast %add3A_478 : i32 to index
        %get3A_489 = arith.constant 48 : index
        %get3A_490 = tpu.vector_load %arg6[%get3A_488, %get3A_489] {strides = array<i32>} : memref<128x64xf32, #tpu.memory_space<vmem>>, vector<16xf32>,
        %add3A_491 = arith.constant 4 : i32
        %add3A_492 = arith.addi %mul3A_347, %add3A_491 : i32
        %add3A_493 = arith.constant 3 : i32
        %add3A_494 = arith.addi %add3A_492, %add3A_493 : i32
        %get3A_495 = arith.index_cast %add3A_494 : i32 to index
        %get3A_496 = arith.constant 0 : index
        %get3A_497 = tpu.vector_load %arg6[%get3A_495, %get3A_496] {strides = array<i32>} : memref<128x64xf32, #tpu.memory_space<vmem>>, vector<16xf32>,
        %get3A_498 = arith.index_cast %add3A_494 : i32 to index
        %get3A_499 = arith.constant 16 : index
        %get3A_500 = tpu.vector_load %arg6[%get3A_498, %get3A_499] {strides = array<i32>} : memref<128x64xf32, #tpu.memory_space<vmem>>, vector<16xf32>,
        %get3A_501 = arith.index_cast %add3A_494 : i32 to index
        %get3A_502 = arith.constant 32 : index
        %get3A_503 = tpu.vector_load %arg6[%get3A_501, %get3A_502] {strides = array<i32>} : memref<128x64xf32, #tpu.memory_space<vmem>>, vector<16xf32>,
        %get3A_504 = arith.index_cast %add3A_494 : i32 to index
        %get3A_505 = arith.constant 48 : index
        %get3A_506 = tpu.vector_load %arg6[%get3A_504, %get3A_505] {strides = array<i32>} : memref<128x64xf32, #tpu.memory_space<vmem>>, vector<16xf32>,
        %add3A_507 = vector.broadcast %add3A_446 : i32 to vector<16xi32>
        %add3A_508 = arith.addi %and3A_19, %add3A_507 : vector<16xi32>
        tpu.vector_store_idx %arg8[%add3A_7, %and3A_2, %add3A_508], %get3A_449 : memref<8x8x129xf32, #tpu.memory_space<vmem>>[vector<16xi32>, vector<16xi32>, vector<16xi32>], vector<16xf32>,
        %add3A_509 = vector.broadcast %add3A_446 : i32 to vector<16xi32>
        %add3A_510 = arith.addi %and3A_19, %add3A_509 : vector<16xi32>
        tpu.vector_store_idx %arg8[%add3A_10, %and3A_2, %add3A_510], %get3A_452 : memref<8x8x129xf32, #tpu.memory_space<vmem>>[vector<16xi32>, vector<16xi32>, vector<16xi32>], vector<16xf32>,
        %add3A_511 = vector.broadcast %add3A_446 : i32 to vector<16xi32>
        %add3A_512 = arith.addi %and3A_19, %add3A_511 : vector<16xi32>
        tpu.vector_store_idx %arg8[%add3A_13, %and3A_2, %add3A_512], %get3A_455 : memref<8x8x129xf32, #tpu.memory_space<vmem>>[vector<16xi32>, vector<16xi32>, vector<16xi32>], vector<16xf32>,
        %add3A_513 = vector.broadcast %add3A_446 : i32 to vector<16xi32>
        %add3A_514 = arith.addi %and3A_19, %add3A_513 : vector<16xi32>
        tpu.vector_store_idx %arg8[%add3A_16, %and3A_2, %add3A_514], %get3A_458 : memref<8x8x129xf32, #tpu.memory_space<vmem>>[vector<16xi32>, vector<16xi32>, vector<16xi32>], vector<16xf32>,
        %add3A_515 = vector.broadcast %add3A_462 : i32 to vector<16xi32>
        %add3A_516 = arith.addi %and3A_19, %add3A_515 : vector<16xi32>
        tpu.vector_store_idx %arg8[%add3A_7, %and3A_2, %add3A_516], %get3A_465 : memref<8x8x129xf32, #tpu.memory_space<vmem>>[vector<16xi32>, vector<16xi32>, vector<16xi32>], vector<16xf32>,
        %add3A_517 = vector.broadcast %add3A_462 : i32 to vector<16xi32>
        %add3A_518 = arith.addi %and3A_19, %add3A_517 : vector<16xi32>
        tpu.vector_store_idx %arg8[%add3A_10, %and3A_2, %add3A_518], %get3A_468 : memref<8x8x129xf32, #tpu.memory_space<vmem>>[vector<16xi32>, vector<16xi32>, vector<16xi32>], vector<16xf32>,
        %add3A_519 = vector.broadcast %add3A_462 : i32 to vector<16xi32>
        %add3A_520 = arith.addi %and3A_19, %add3A_519 : vector<16xi32>
        tpu.vector_store_idx %arg8[%add3A_13, %and3A_2, %add3A_520], %get3A_471 : memref<8x8x129xf32, #tpu.memory_space<vmem>>[vector<16xi32>, vector<16xi32>, vector<16xi32>], vector<16xf32>,
        %add3A_521 = vector.broadcast %add3A_462 : i32 to vector<16xi32>
        %add3A_522 = arith.addi %and3A_19, %add3A_521 : vector<16xi32>
        tpu.vector_store_idx %arg8[%add3A_16, %and3A_2, %add3A_522], %get3A_474 : memref<8x8x129xf32, #tpu.memory_space<vmem>>[vector<16xi32>, vector<16xi32>, vector<16xi32>], vector<16xf32>,
        %add3A_523 = vector.broadcast %add3A_478 : i32 to vector<16xi32>
        %add3A_524 = arith.addi %and3A_19, %add3A_523 : vector<16xi32>
        tpu.vector_store_idx %arg8[%add3A_7, %and3A_2, %add3A_524], %get3A_481 : memref<8x8x129xf32, #tpu.memory_space<vmem>>[vector<16xi32>, vector<16xi32>, vector<16xi32>], vector<16xf32>,
        %add3A_525 = vector.broadcast %add3A_478 : i32 to vector<16xi32>
        %add3A_526 = arith.addi %and3A_19, %add3A_525 : vector<16xi32>
        tpu.vector_store_idx %arg8[%add3A_10, %and3A_2, %add3A_526], %get3A_484 : memref<8x8x129xf32, #tpu.memory_space<vmem>>[vector<16xi32>, vector<16xi32>, vector<16xi32>], vector<16xf32>,
        %add3A_527 = vector.broadcast %add3A_478 : i32 to vector<16xi32>
        %add3A_528 = arith.addi %and3A_19, %add3A_527 : vector<16xi32>
        tpu.vector_store_idx %arg8[%add3A_13, %and3A_2, %add3A_528], %get3A_487 : memref<8x8x129xf32, #tpu.memory_space<vmem>>[vector<16xi32>, vector<16xi32>, vector<16xi32>], vector<16xf32>,
        %add3A_529 = vector.broadcast %add3A_478 : i32 to vector<16xi32>
        %add3A_530 = arith.addi %and3A_19, %add3A_529 : vector<16xi32>
        tpu.vector_store_idx %arg8[%add3A_16, %and3A_2, %add3A_530], %get3A_490 : memref<8x8x129xf32, #tpu.memory_space<vmem>>[vector<16xi32>, vector<16xi32>, vector<16xi32>], vector<16xf32>,
        %add3A_531 = vector.broadcast %add3A_494 : i32 to vector<16xi32>
        %add3A_532 = arith.addi %and3A_19, %add3A_531 : vector<16xi32>
        tpu.vector_store_idx %arg8[%add3A_7, %and3A_2, %add3A_532], %get3A_497 : memref<8x8x129xf32, #tpu.memory_space<vmem>>[vector<16xi32>, vector<16xi32>, vector<16xi32>], vector<16xf32>,
        %add3A_533 = vector.broadcast %add3A_494 : i32 to vector<16xi32>
        %add3A_534 = arith.addi %and3A_19, %add3A_533 : vector<16xi32>
        tpu.vector_store_idx %arg8[%add3A_10, %and3A_2, %add3A_534], %get3A_500 : memref<8x8x129xf32, #tpu.memory_space<vmem>>[vector<16xi32>, vector<16xi32>, vector<16xi32>], vector<16xf32>,
        %add3A_535 = vector.broadcast %add3A_494 : i32 to vector<16xi32>
        %add3A_536 = arith.addi %and3A_19, %add3A_535 : vector<16xi32>
        tpu.vector_store_idx %arg8[%add3A_13, %and3A_2, %add3A_536], %get3A_503 : memref<8x8x129xf32, #tpu.memory_space<vmem>>[vector<16xi32>, vector<16xi32>, vector<16xi32>], vector<16xf32>,
        %add3A_537 = vector.broadcast %add3A_494 : i32 to vector<16xi32>
        %add3A_538 = arith.addi %and3A_19, %add3A_537 : vector<16xi32>
        tpu.vector_store_idx %arg8[%add3A_16, %and3A_2, %add3A_538], %get3A_506 : memref<8x8x129xf32, #tpu.memory_space<vmem>>[vector<16xi32>, vector<16xi32>, vector<16xi32>], vector<16xf32>,
        %add3A_539 = arith.constant 8 : i32
        %add3A_540 = arith.addi %mul3A_347, %add3A_539 : i32
        %add3A_541 = arith.constant 0 : i32
        %add3A_542 = arith.addi %add3A_540, %add3A_541 : i32
        %get3A_543 = arith.index_cast %add3A_542 : i32 to index
        %get3A_544 = arith.constant 0 : index
        %get3A_545 = tpu.vector_load %arg6[%get3A_543, %get3A_544] {strides = array<i32>} : memref<128x64xf32, #tpu.memory_space<vmem>>, vector<16xf32>,
        %get3A_546 = arith.index_cast %add3A_542 : i32 to index
        %get3A_547 = arith.constant 16 : index
        %get3A_548 = tpu.vector_load %arg6[%get3A_546, %get3A_547] {strides = array<i32>} : memref<128x64xf32, #tpu.memory_space<vmem>>, vector<16xf32>,
        %get3A_549 = arith.index_cast %add3A_542 : i32 to index
        %get3A_550 = arith.constant 32 : index
        %get3A_551 = tpu.vector_load %arg6[%get3A_549, %get3A_550] {strides = array<i32>} : memref<128x64xf32, #tpu.memory_space<vmem>>, vector<16xf32>,
        %get3A_552 = arith.index_cast %add3A_542 : i32 to index
        %get3A_553 = arith.constant 48 : index
        %get3A_554 = tpu.vector_load %arg6[%get3A_552, %get3A_553] {strides = array<i32>} : memref<128x64xf32, #tpu.memory_space<vmem>>, vector<16xf32>,
        %add3A_555 = arith.constant 8 : i32
        %add3A_556 = arith.addi %mul3A_347, %add3A_555 : i32
        %add3A_557 = arith.constant 1 : i32
        %add3A_558 = arith.addi %add3A_556, %add3A_557 : i32
        %get3A_559 = arith.index_cast %add3A_558 : i32 to index
        %get3A_560 = arith.constant 0 : index
        %get3A_561 = tpu.vector_load %arg6[%get3A_559, %get3A_560] {strides = array<i32>} : memref<128x64xf32, #tpu.memory_space<vmem>>, vector<16xf32>,
        %get3A_562 = arith.index_cast %add3A_558 : i32 to index
        %get3A_563 = arith.constant 16 : index
        %get3A_564 = tpu.vector_load %arg6[%get3A_562, %get3A_563] {strides = array<i32>} : memref<128x64xf32, #tpu.memory_space<vmem>>, vector<16xf32>,
        %get3A_565 = arith.index_cast %add3A_558 : i32 to index
        %get3A_566 = arith.constant 32 : index
        %get3A_567 = tpu.vector_load %arg6[%get3A_565, %get3A_566] {strides = array<i32>} : memref<128x64xf32, #tpu.memory_space<vmem>>, vector<16xf32>,
        %get3A_568 = arith.index_cast %add3A_558 : i32 to index
        %get3A_569 = arith.constant 48 : index
        %get3A_570 = tpu.vector_load %arg6[%get3A_568, %get3A_569] {strides = array<i32>} : memref<128x64xf32, #tpu.memory_space<vmem>>, vector<16xf32>,
        %add3A_571 = arith.constant 8 : i32
        %add3A_572 = arith.addi %mul3A_347, %add3A_571 : i32
        %add3A_573 = arith.constant 2 : i32
        %add3A_574 = arith.addi %add3A_572, %add3A_573 : i32
        %get3A_575 = arith.index_cast %add3A_574 : i32 to index
        %get3A_576 = arith.constant 0 : index
        %get3A_577 = tpu.vector_load %arg6[%get3A_575, %get3A_576] {strides = array<i32>} : memref<128x64xf32, #tpu.memory_space<vmem>>, vector<16xf32>,
        %get3A_578 = arith.index_cast %add3A_574 : i32 to index
        %get3A_579 = arith.constant 16 : index
        %get3A_580 = tpu.vector_load %arg6[%get3A_578, %get3A_579] {strides = array<i32>} : memref<128x64xf32, #tpu.memory_space<vmem>>, vector<16xf32>,
        %get3A_581 = arith.index_cast %add3A_574 : i32 to index
        %get3A_582 = arith.constant 32 : index
        %get3A_583 = tpu.vector_load %arg6[%get3A_581, %get3A_582] {strides = array<i32>} : memref<128x64xf32, #tpu.memory_space<vmem>>, vector<16xf32>,
        %get3A_584 = arith.index_cast %add3A_574 : i32 to index
        %get3A_585 = arith.constant 48 : index
        %get3A_586 = tpu.vector_load %arg6[%get3A_584, %get3A_585] {strides = array<i32>} : memref<128x64xf32, #tpu.memory_space<vmem>>, vector<16xf32>,
        %add3A_587 = arith.constant 8 : i32
        %add3A_588 = arith.addi %mul3A_347, %add3A_587 : i32
        %add3A_589 = arith.constant 3 : i32
        %add3A_590 = arith.addi %add3A_588, %add3A_589 : i32
        %get3A_591 = arith.index_cast %add3A_590 : i32 to index
        %get3A_592 = arith.constant 0 : index
        %get3A_593 = tpu.vector_load %arg6[%get3A_591, %get3A_592] {strides = array<i32>} : memref<128x64xf32, #tpu.memory_space<vmem>>, vector<16xf32>,
        %get3A_594 = arith.index_cast %add3A_590 : i32 to index
        %get3A_595 = arith.constant 16 : index
        %get3A_596 = tpu.vector_load %arg6[%get3A_594, %get3A_595] {strides = array<i32>} : memref<128x64xf32, #tpu.memory_space<vmem>>, vector<16xf32>,
        %get3A_597 = arith.index_cast %add3A_590 : i32 to index
        %get3A_598 = arith.constant 32 : index
        %get3A_599 = tpu.vector_load %arg6[%get3A_597, %get3A_598] {strides = array<i32>} : memref<128x64xf32, #tpu.memory_space<vmem>>, vector<16xf32>,
        %get3A_600 = arith.index_cast %add3A_590 : i32 to index
        %get3A_601 = arith.constant 48 : index
        %get3A_602 = tpu.vector_load %arg6[%get3A_600, %get3A_601] {strides = array<i32>} : memref<128x64xf32, #tpu.memory_space<vmem>>, vector<16xf32>,
        %add3A_603 = vector.broadcast %add3A_542 : i32 to vector<16xi32>
        %add3A_604 = arith.addi %and3A_19, %add3A_603 : vector<16xi32>
        tpu.vector_store_idx %arg8[%add3A_7, %and3A_2, %add3A_604], %get3A_545 : memref<8x8x129xf32, #tpu.memory_space<vmem>>[vector<16xi32>, vector<16xi32>, vector<16xi32>], vector<16xf32>,
        %add3A_605 = vector.broadcast %add3A_542 : i32 to vector<16xi32>
        %add3A_606 = arith.addi %and3A_19, %add3A_605 : vector<16xi32>
        tpu.vector_store_idx %arg8[%add3A_10, %and3A_2, %add3A_606], %get3A_548 : memref<8x8x129xf32, #tpu.memory_space<vmem>>[vector<16xi32>, vector<16xi32>, vector<16xi32>], vector<16xf32>,
        %add3A_607 = vector.broadcast %add3A_542 : i32 to vector<16xi32>
        %add3A_608 = arith.addi %and3A_19, %add3A_607 : vector<16xi32>
        tpu.vector_store_idx %arg8[%add3A_13, %and3A_2, %add3A_608], %get3A_551 : memref<8x8x129xf32, #tpu.memory_space<vmem>>[vector<16xi32>, vector<16xi32>, vector<16xi32>], vector<16xf32>,
        %add3A_609 = vector.broadcast %add3A_542 : i32 to vector<16xi32>
        %add3A_610 = arith.addi %and3A_19, %add3A_609 : vector<16xi32>
        tpu.vector_store_idx %arg8[%add3A_16, %and3A_2, %add3A_610], %get3A_554 : memref<8x8x129xf32, #tpu.memory_space<vmem>>[vector<16xi32>, vector<16xi32>, vector<16xi32>], vector<16xf32>,
        %add3A_611 = vector.broadcast %add3A_558 : i32 to vector<16xi32>
        %add3A_612 = arith.addi %and3A_19, %add3A_611 : vector<16xi32>
        tpu.vector_store_idx %arg8[%add3A_7, %and3A_2, %add3A_612], %get3A_561 : memref<8x8x129xf32, #tpu.memory_space<vmem>>[vector<16xi32>, vector<16xi32>, vector<16xi32>], vector<16xf32>,
        %add3A_613 = vector.broadcast %add3A_558 : i32 to vector<16xi32>
        %add3A_614 = arith.addi %and3A_19, %add3A_613 : vector<16xi32>
        tpu.vector_store_idx %arg8[%add3A_10, %and3A_2, %add3A_614], %get3A_564 : memref<8x8x129xf32, #tpu.memory_space<vmem>>[vector<16xi32>, vector<16xi32>, vector<16xi32>], vector<16xf32>,
        %add3A_615 = vector.broadcast %add3A_558 : i32 to vector<16xi32>
        %add3A_616 = arith.addi %and3A_19, %add3A_615 : vector<16xi32>
        tpu.vector_store_idx %arg8[%add3A_13, %and3A_2, %add3A_616], %get3A_567 : memref<8x8x129xf32, #tpu.memory_space<vmem>>[vector<16xi32>, vector<16xi32>, vector<16xi32>], vector<16xf32>,
        %add3A_617 = vector.broadcast %add3A_558 : i32 to vector<16xi32>
        %add3A_618 = arith.addi %and3A_19, %add3A_617 : vector<16xi32>
        tpu.vector_store_idx %arg8[%add3A_16, %and3A_2, %add3A_618], %get3A_570 : memref<8x8x129xf32, #tpu.memory_space<vmem>>[vector<16xi32>, vector<16xi32>, vector<16xi32>], vector<16xf32>,
        %add3A_619 = vector.broadcast %add3A_574 : i32 to vector<16xi32>
        %add3A_620 = arith.addi %and3A_19, %add3A_619 : vector<16xi32>
        tpu.vector_store_idx %arg8[%add3A_7, %and3A_2, %add3A_620], %get3A_577 : memref<8x8x129xf32, #tpu.memory_space<vmem>>[vector<16xi32>, vector<16xi32>, vector<16xi32>], vector<16xf32>,
        %add3A_621 = vector.broadcast %add3A_574 : i32 to vector<16xi32>
        %add3A_622 = arith.addi %and3A_19, %add3A_621 : vector<16xi32>
        tpu.vector_store_idx %arg8[%add3A_10, %and3A_2, %add3A_622], %get3A_580 : memref<8x8x129xf32, #tpu.memory_space<vmem>>[vector<16xi32>, vector<16xi32>, vector<16xi32>], vector<16xf32>,
        %add3A_623 = vector.broadcast %add3A_574 : i32 to vector<16xi32>
        %add3A_624 = arith.addi %and3A_19, %add3A_623 : vector<16xi32>
        tpu.vector_store_idx %arg8[%add3A_13, %and3A_2, %add3A_624], %get3A_583 : memref<8x8x129xf32, #tpu.memory_space<vmem>>[vector<16xi32>, vector<16xi32>, vector<16xi32>], vector<16xf32>,
        %add3A_625 = vector.broadcast %add3A_574 : i32 to vector<16xi32>
        %add3A_626 = arith.addi %and3A_19, %add3A_625 : vector<16xi32>
        tpu.vector_store_idx %arg8[%add3A_16, %and3A_2, %add3A_626], %get3A_586 : memref<8x8x129xf32, #tpu.memory_space<vmem>>[vector<16xi32>, vector<16xi32>, vector<16xi32>], vector<16xf32>,
        %add3A_627 = vector.broadcast %add3A_590 : i32 to vector<16xi32>
        %add3A_628 = arith.addi %and3A_19, %add3A_627 : vector<16xi32>
        tpu.vector_store_idx %arg8[%add3A_7, %and3A_2, %add3A_628], %get3A_593 : memref<8x8x129xf32, #tpu.memory_space<vmem>>[vector<16xi32>, vector<16xi32>, vector<16xi32>], vector<16xf32>,
        %add3A_629 = vector.broadcast %add3A_590 : i32 to vector<16xi32>
        %add3A_630 = arith.addi %and3A_19, %add3A_629 : vector<16xi32>
        tpu.vector_store_idx %arg8[%add3A_10, %and3A_2, %add3A_630], %get3A_596 : memref<8x8x129xf32, #tpu.memory_space<vmem>>[vector<16xi32>, vector<16xi32>, vector<16xi32>], vector<16xf32>,
        %add3A_631 = vector.broadcast %add3A_590 : i32 to vector<16xi32>
        %add3A_632 = arith.addi %and3A_19, %add3A_631 : vector<16xi32>
        tpu.vector_store_idx %arg8[%add3A_13, %and3A_2, %add3A_632], %get3A_599 : memref<8x8x129xf32, #tpu.memory_space<vmem>>[vector<16xi32>, vector<16xi32>, vector<16xi32>], vector<16xf32>,
        %add3A_633 = vector.broadcast %add3A_590 : i32 to vector<16xi32>
        %add3A_634 = arith.addi %and3A_19, %add3A_633 : vector<16xi32>
        tpu.vector_store_idx %arg8[%add3A_16, %and3A_2, %add3A_634], %get3A_602 : memref<8x8x129xf32, #tpu.memory_space<vmem>>[vector<16xi32>, vector<16xi32>, vector<16xi32>], vector<16xf32>,
        %add3A_635 = arith.constant 12 : i32
        %add3A_636 = arith.addi %mul3A_347, %add3A_635 : i32
        %add3A_637 = arith.constant 0 : i32
        %add3A_638 = arith.addi %add3A_636, %add3A_637 : i32
        %get3A_639 = arith.index_cast %add3A_638 : i32 to index
        %get3A_640 = arith.constant 0 : index
        %get3A_641 = tpu.vector_load %arg6[%get3A_639, %get3A_640] {strides = array<i32>} : memref<128x64xf32, #tpu.memory_space<vmem>>, vector<16xf32>,
        %get3A_642 = arith.index_cast %add3A_638 : i32 to index
        %get3A_643 = arith.constant 16 : index
        %get3A_644 = tpu.vector_load %arg6[%get3A_642, %get3A_643] {strides = array<i32>} : memref<128x64xf32, #tpu.memory_space<vmem>>, vector<16xf32>,
        %get3A_645 = arith.index_cast %add3A_638 : i32 to index
        %get3A_646 = arith.constant 32 : index
        %get3A_647 = tpu.vector_load %arg6[%get3A_645, %get3A_646] {strides = array<i32>} : memref<128x64xf32, #tpu.memory_space<vmem>>, vector<16xf32>,
        %get3A_648 = arith.index_cast %add3A_638 : i32 to index
        %get3A_649 = arith.constant 48 : index
        %get3A_650 = tpu.vector_load %arg6[%get3A_648, %get3A_649] {strides = array<i32>} : memref<128x64xf32, #tpu.memory_space<vmem>>, vector<16xf32>,
        %add3A_651 = arith.constant 12 : i32
        %add3A_652 = arith.addi %mul3A_347, %add3A_651 : i32
        %add3A_653 = arith.constant 1 : i32
        %add3A_654 = arith.addi %add3A_652, %add3A_653 : i32
        %get3A_655 = arith.index_cast %add3A_654 : i32 to index
        %get3A_656 = arith.constant 0 : index
        %get3A_657 = tpu.vector_load %arg6[%get3A_655, %get3A_656] {strides = array<i32>} : memref<128x64xf32, #tpu.memory_space<vmem>>, vector<16xf32>,
        %get3A_658 = arith.index_cast %add3A_654 : i32 to index
        %get3A_659 = arith.constant 16 : index
        %get3A_660 = tpu.vector_load %arg6[%get3A_658, %get3A_659] {strides = array<i32>} : memref<128x64xf32, #tpu.memory_space<vmem>>, vector<16xf32>,
        %get3A_661 = arith.index_cast %add3A_654 : i32 to index
        %get3A_662 = arith.constant 32 : index
        %get3A_663 = tpu.vector_load %arg6[%get3A_661, %get3A_662] {strides = array<i32>} : memref<128x64xf32, #tpu.memory_space<vmem>>, vector<16xf32>,
        %get3A_664 = arith.index_cast %add3A_654 : i32 to index
        %get3A_665 = arith.constant 48 : index
        %get3A_666 = tpu.vector_load %arg6[%get3A_664, %get3A_665] {strides = array<i32>} : memref<128x64xf32, #tpu.memory_space<vmem>>, vector<16xf32>,
        %add3A_667 = arith.constant 12 : i32
        %add3A_668 = arith.addi %mul3A_347, %add3A_667 : i32
        %add3A_669 = arith.constant 2 : i32
        %add3A_670 = arith.addi %add3A_668, %add3A_669 : i32
        %get3A_671 = arith.index_cast %add3A_670 : i32 to index
        %get3A_672 = arith.constant 0 : index
        %get3A_673 = tpu.vector_load %arg6[%get3A_671, %get3A_672] {strides = array<i32>} : memref<128x64xf32, #tpu.memory_space<vmem>>, vector<16xf32>,
        %get3A_674 = arith.index_cast %add3A_670 : i32 to index
        %get3A_675 = arith.constant 16 : index
        %get3A_676 = tpu.vector_load %arg6[%get3A_674, %get3A_675] {strides = array<i32>} : memref<128x64xf32, #tpu.memory_space<vmem>>, vector<16xf32>,
        %get3A_677 = arith.index_cast %add3A_670 : i32 to index
        %get3A_678 = arith.constant 32 : index
        %get3A_679 = tpu.vector_load %arg6[%get3A_677, %get3A_678] {strides = array<i32>} : memref<128x64xf32, #tpu.memory_space<vmem>>, vector<16xf32>,
        %get3A_680 = arith.index_cast %add3A_670 : i32 to index
        %get3A_681 = arith.constant 48 : index
        %get3A_682 = tpu.vector_load %arg6[%get3A_680, %get3A_681] {strides = array<i32>} : memref<128x64xf32, #tpu.memory_space<vmem>>, vector<16xf32>,
        %add3A_683 = arith.constant 12 : i32
        %add3A_684 = arith.addi %mul3A_347, %add3A_683 : i32
        %add3A_685 = arith.constant 3 : i32
        %add3A_686 = arith.addi %add3A_684, %add3A_685 : i32
        %get3A_687 = arith.index_cast %add3A_686 : i32 to index
        %get3A_688 = arith.constant 0 : index
        %get3A_689 = tpu.vector_load %arg6[%get3A_687, %get3A_688] {strides = array<i32>} : memref<128x64xf32, #tpu.memory_space<vmem>>, vector<16xf32>,
        %get3A_690 = arith.index_cast %add3A_686 : i32 to index
        %get3A_691 = arith.constant 16 : index
        %get3A_692 = tpu.vector_load %arg6[%get3A_690, %get3A_691] {strides = array<i32>} : memref<128x64xf32, #tpu.memory_space<vmem>>, vector<16xf32>,
        %get3A_693 = arith.index_cast %add3A_686 : i32 to index
        %get3A_694 = arith.constant 32 : index
        %get3A_695 = tpu.vector_load %arg6[%get3A_693, %get3A_694] {strides = array<i32>} : memref<128x64xf32, #tpu.memory_space<vmem>>, vector<16xf32>,
        %get3A_696 = arith.index_cast %add3A_686 : i32 to index
        %get3A_697 = arith.constant 48 : index
        %get3A_698 = tpu.vector_load %arg6[%get3A_696, %get3A_697] {strides = array<i32>} : memref<128x64xf32, #tpu.memory_space<vmem>>, vector<16xf32>,
        %add3A_699 = vector.broadcast %add3A_638 : i32 to vector<16xi32>
        %add3A_700 = arith.addi %and3A_19, %add3A_699 : vector<16xi32>
        tpu.vector_store_idx %arg8[%add3A_7, %and3A_2, %add3A_700], %get3A_641 : memref<8x8x129xf32, #tpu.memory_space<vmem>>[vector<16xi32>, vector<16xi32>, vector<16xi32>], vector<16xf32>,
        %add3A_701 = vector.broadcast %add3A_638 : i32 to vector<16xi32>
        %add3A_702 = arith.addi %and3A_19, %add3A_701 : vector<16xi32>
        tpu.vector_store_idx %arg8[%add3A_10, %and3A_2, %add3A_702], %get3A_644 : memref<8x8x129xf32, #tpu.memory_space<vmem>>[vector<16xi32>, vector<16xi32>, vector<16xi32>], vector<16xf32>,
        %add3A_703 = vector.broadcast %add3A_638 : i32 to vector<16xi32>
        %add3A_704 = arith.addi %and3A_19, %add3A_703 : vector<16xi32>
        tpu.vector_store_idx %arg8[%add3A_13, %and3A_2, %add3A_704], %get3A_647 : memref<8x8x129xf32, #tpu.memory_space<vmem>>[vector<16xi32>, vector<16xi32>, vector<16xi32>], vector<16xf32>,
        %add3A_705 = vector.broadcast %add3A_638 : i32 to vector<16xi32>
        %add3A_706 = arith.addi %and3A_19, %add3A_705 : vector<16xi32>
        tpu.vector_store_idx %arg8[%add3A_16, %and3A_2, %add3A_706], %get3A_650 : memref<8x8x129xf32, #tpu.memory_space<vmem>>[vector<16xi32>, vector<16xi32>, vector<16xi32>], vector<16xf32>,
        %add3A_707 = vector.broadcast %add3A_654 : i32 to vector<16xi32>
        %add3A_708 = arith.addi %and3A_19, %add3A_707 : vector<16xi32>
        tpu.vector_store_idx %arg8[%add3A_7, %and3A_2, %add3A_708], %get3A_657 : memref<8x8x129xf32, #tpu.memory_space<vmem>>[vector<16xi32>, vector<16xi32>, vector<16xi32>], vector<16xf32>,
        %add3A_709 = vector.broadcast %add3A_654 : i32 to vector<16xi32>
        %add3A_710 = arith.addi %and3A_19, %add3A_709 : vector<16xi32>
        tpu.vector_store_idx %arg8[%add3A_10, %and3A_2, %add3A_710], %get3A_660 : memref<8x8x129xf32, #tpu.memory_space<vmem>>[vector<16xi32>, vector<16xi32>, vector<16xi32>], vector<16xf32>,
        %add3A_711 = vector.broadcast %add3A_654 : i32 to vector<16xi32>
        %add3A_712 = arith.addi %and3A_19, %add3A_711 : vector<16xi32>
        tpu.vector_store_idx %arg8[%add3A_13, %and3A_2, %add3A_712], %get3A_663 : memref<8x8x129xf32, #tpu.memory_space<vmem>>[vector<16xi32>, vector<16xi32>, vector<16xi32>], vector<16xf32>,
        %add3A_713 = vector.broadcast %add3A_654 : i32 to vector<16xi32>
        %add3A_714 = arith.addi %and3A_19, %add3A_713 : vector<16xi32>
        tpu.vector_store_idx %arg8[%add3A_16, %and3A_2, %add3A_714], %get3A_666 : memref<8x8x129xf32, #tpu.memory_space<vmem>>[vector<16xi32>, vector<16xi32>, vector<16xi32>], vector<16xf32>,
        %add3A_715 = vector.broadcast %add3A_670 : i32 to vector<16xi32>
        %add3A_716 = arith.addi %and3A_19, %add3A_715 : vector<16xi32>
        tpu.vector_store_idx %arg8[%add3A_7, %and3A_2, %add3A_716], %get3A_673 : memref<8x8x129xf32, #tpu.memory_space<vmem>>[vector<16xi32>, vector<16xi32>, vector<16xi32>], vector<16xf32>,
        %add3A_717 = vector.broadcast %add3A_670 : i32 to vector<16xi32>
        %add3A_718 = arith.addi %and3A_19, %add3A_717 : vector<16xi32>
        tpu.vector_store_idx %arg8[%add3A_10, %and3A_2, %add3A_718], %get3A_676 : memref<8x8x129xf32, #tpu.memory_space<vmem>>[vector<16xi32>, vector<16xi32>, vector<16xi32>], vector<16xf32>,
        %add3A_719 = vector.broadcast %add3A_670 : i32 to vector<16xi32>
        %add3A_720 = arith.addi %and3A_19, %add3A_719 : vector<16xi32>
        tpu.vector_store_idx %arg8[%add3A_13, %and3A_2, %add3A_720], %get3A_679 : memref<8x8x129xf32, #tpu.memory_space<vmem>>[vector<16xi32>, vector<16xi32>, vector<16xi32>], vector<16xf32>,
        %add3A_721 = vector.broadcast %add3A_670 : i32 to vector<16xi32>
        %add3A_722 = arith.addi %and3A_19, %add3A_721 : vector<16xi32>
        tpu.vector_store_idx %arg8[%add3A_16, %and3A_2, %add3A_722], %get3A_682 : memref<8x8x129xf32, #tpu.memory_space<vmem>>[vector<16xi32>, vector<16xi32>, vector<16xi32>], vector<16xf32>,
        %add3A_723 = vector.broadcast %add3A_686 : i32 to vector<16xi32>
        %add3A_724 = arith.addi %and3A_19, %add3A_723 : vector<16xi32>
        tpu.vector_store_idx %arg8[%add3A_7, %and3A_2, %add3A_724], %get3A_689 : memref<8x8x129xf32, #tpu.memory_space<vmem>>[vector<16xi32>, vector<16xi32>, vector<16xi32>], vector<16xf32>,
        %add3A_725 = vector.broadcast %add3A_686 : i32 to vector<16xi32>
        %add3A_726 = arith.addi %and3A_19, %add3A_725 : vector<16xi32>
        tpu.vector_store_idx %arg8[%add3A_10, %and3A_2, %add3A_726], %get3A_692 : memref<8x8x129xf32, #tpu.memory_space<vmem>>[vector<16xi32>, vector<16xi32>, vector<16xi32>], vector<16xf32>,
        %add3A_727 = vector.broadcast %add3A_686 : i32 to vector<16xi32>
        %add3A_728 = arith.addi %and3A_19, %add3A_727 : vector<16xi32>
        tpu.vector_store_idx %arg8[%add3A_13, %and3A_2, %add3A_728], %get3A_695 : memref<8x8x129xf32, #tpu.memory_space<vmem>>[vector<16xi32>, vector<16xi32>, vector<16xi32>], vector<16xf32>,
        %add3A_729 = vector.broadcast %add3A_686 : i32 to vector<16xi32>
        %add3A_730 = arith.addi %and3A_19, %add3A_729 : vector<16xi32>
        tpu.vector_store_idx %arg8[%add3A_16, %and3A_2, %add3A_730], %get3A_698 : memref<8x8x129xf32, #tpu.memory_space<vmem>>[vector<16xi32>, vector<16xi32>, vector<16xi32>], vector<16xf32>,
      }
      %scan3A_166 = arith.constant 8 : i32
      %jit3A_167 = arith.constant 4 : i32
      %div3A_168 = arith.divsi %mul3A_73, %jit3A_167 : i32
      %sign3A_169 = arith.constant 0 : i32
      %sign3A_170 = arith.cmpi sgt, %mul3A_73, %sign3A_169 : i32
      %sign3A_171 = arith.extui %sign3A_170 : i1 to i32
      %sign3A_172 = arith.constant 0 : i32
      %sign3A_173 = arith.cmpi slt, %mul3A_73, %sign3A_172 : i32
      %sign3A_174 = arith.extui %sign3A_173 : i1 to i32
      %sign3A_175 = arith.subi %sign3A_171, %sign3A_174 : i32
      %sign3A_176 = arith.constant 0 : i32
      %sign3A_177 = arith.cmpi sgt, %jit3A_167, %sign3A_176 : i32
      %sign3A_178 = arith.extui %sign3A_177 : i1 to i32
      %sign3A_179 = arith.constant 0 : i32
      %sign3A_180 = arith.cmpi slt, %jit3A_167, %sign3A_179 : i32
      %sign3A_181 = arith.extui %sign3A_180 : i1 to i32
      %sign3A_182 = arith.subi %sign3A_178, %sign3A_181 : i32
      %ne3A_183 = arith.cmpi ne, %sign3A_175, %sign3A_182 : i32
      %rem3A_184 = arith.remsi %mul3A_73, %jit3A_167 : i32
      %ne3A_185 = arith.constant 0 : i32
      %ne3A_186 = arith.cmpi ne, %rem3A_184, %ne3A_185 : i32
      %and3A_187 = arith.andi %ne3A_183, %ne3A_186 : i1
      %sub3A_188 = arith.constant 1 : i32
      %sub3A_189 = arith.subi %div3A_168, %sub3A_188 : i32
      %select_n3A_190 = arith.select %and3A_187, %sub3A_189, %div3A_168 : i32
      %jit3A_191 = arith.constant 4 : i32
      %eq3A_192 = arith.constant 0 : i32
      %eq3A_193 = arith.cmpi eq, %jit3A_191, %eq3A_192 : i32
      %jit3A_194 = arith.constant 1 : i32
      %select_n3A_195 = arith.select %eq3A_193, %jit3A_194, %jit3A_191 : i32
      %rem3A_196 = arith.remsi %mul3A_73, %select_n3A_195 : i32
      %ne3A_197 = arith.constant 0 : i32
      %ne3A_198 = arith.cmpi ne, %rem3A_196, %ne3A_197 : i32
      %lt3A_199 = arith.constant 0 : i32
      %lt3A_200 = arith.cmpi slt, %rem3A_196, %lt3A_199 : i32
      %lt3A_201 = arith.constant 0 : i32
      %lt3A_202 = arith.cmpi slt, %select_n3A_195, %lt3A_201 : i32
      %ne3A_203 = arith.xori %lt3A_200, %lt3A_202 : i1
      %and3A_204 = arith.andi %ne3A_203, %ne3A_198 : i1
      %add3A_205 = arith.addi %rem3A_196, %select_n3A_195 : i32
      %select_n3A_206 = arith.select %and3A_204, %add3A_205, %rem3A_196 : i32
      %dma_start3A_207 = arith.constant 0 : i32
      %dma_start3A_208 = arith.constant 0 : i32
      %dma_start3A_209 = arith.constant 0 : i32
      %dma_start3A_210 = tpu.memref_slice %arg8[%dma_start3A_207, %dma_start3A_208, %dma_start3A_209] : memref<8x8x129xf32, #tpu.memory_space<vmem>> -> memref<8x8x128xf32, #tpu.memory_space<vmem>>
      %dma_start3A_211 = arith.constant 0 : i32
      %dma_start3A_212 = arith.constant 0 : i32
      %dma_start3A_213 = arith.constant 0 : i32
      %dma_start3A_214 = tpu.memref_slice %arg4[%add3A, %select_n3A_206, %dma_start3A_211, %select_n3A_190, %dma_start3A_212, %dma_start3A_213] : memref<32x4x8x16x8x128xf32, #tpu.memory_space<hbm>> -> memref<1x1x8x1x8x128xf32, #tpu.memory_space<hbm>>
      %dma_start3A_215 = tpu.memref_squeeze %dma_start3A_214 : memref<1x1x8x1x8x128xf32, #tpu.memory_space<hbm>> -> memref<8x8x128xf32, #tpu.memory_space<hbm>>
      %dma_start3A_216 = arith.constant 0 : i32
      %dma_start3A_217 = arith.constant 0 : i32
      %dma_start3A_218 = arith.constant 0 : i32
      %dma_start3A_219 = tpu.memref_slice %arg4[%add3A, %select_n3A_206, %dma_start3A_216, %select_n3A_190, %dma_start3A_217, %dma_start3A_218] : memref<32x4x8x16x8x128xf32, #tpu.memory_space<hbm>> -> memref<1x1x8x1x8x128xf32, #tpu.memory_space<hbm>>
      %dma_start3A_220 = tpu.memref_squeeze %dma_start3A_219 : memref<1x1x8x1x8x128xf32, #tpu.memory_space<hbm>> -> memref<8x8x128xf32, #tpu.memory_space<hbm>>
      %dma_start3A_221 = arith.constant 0 : i32
      %dma_start3A_222 = arith.constant 0 : i32
      %dma_start3A_223 = arith.constant 0 : i32
      %dma_start3A_224 = tpu.memref_slice %arg8[%dma_start3A_221, %dma_start3A_222, %dma_start3A_223] : memref<8x8x129xf32, #tpu.memory_space<vmem>> -> memref<8x8x128xf32, #tpu.memory_space<vmem>>
      tpu.enqueue_dma source(%dma_start3A_224 : memref<8x8x128xf32, #tpu.memory_space<vmem>>) target(%dma_start3A_220 : memref<8x8x128xf32, #tpu.memory_space<hbm>>) target_semaphore(%arg12 : memref<!tpu.dma_semaphore, #tpu.memory_space<semaphore_mem>>)
      %lt3A_225 = arith.constant 31 : i32
      %lt3A_226 = arith.cmpi slt, %scan3A_71, %lt3A_225 : i32
      %convert_element_type3A_227 = arith.extui %lt3A_226 : i1 to i32
      %cond3A_228 = arith.constant 0 : i32
      %cond3A_229 = arith.cmpi ne, %convert_element_type3A_227, %cond3A_228 : i32
      scf.if %cond3A_229 {
        %add3A_345 = arith.constant 2 : i32
        %add3A_346 = arith.addi %mul3A_73, %add3A_345 : i32
        %jit3A_347 = arith.constant 4 : i32
        %div3A_348 = arith.divsi %add3A_346, %jit3A_347 : i32
        %sign3A_349 = arith.constant 0 : i32
        %sign3A_350 = arith.cmpi sgt, %add3A_346, %sign3A_349 : i32
        %sign3A_351 = arith.extui %sign3A_350 : i1 to i32
        %sign3A_352 = arith.constant 0 : i32
        %sign3A_353 = arith.cmpi slt, %add3A_346, %sign3A_352 : i32
        %sign3A_354 = arith.extui %sign3A_353 : i1 to i32
        %sign3A_355 = arith.subi %sign3A_351, %sign3A_354 : i32
        %sign3A_356 = arith.constant 0 : i32
        %sign3A_357 = arith.cmpi sgt, %jit3A_347, %sign3A_356 : i32
        %sign3A_358 = arith.extui %sign3A_357 : i1 to i32
        %sign3A_359 = arith.constant 0 : i32
        %sign3A_360 = arith.cmpi slt, %jit3A_347, %sign3A_359 : i32
        %sign3A_361 = arith.extui %sign3A_360 : i1 to i32
        %sign3A_362 = arith.subi %sign3A_358, %sign3A_361 : i32
        %ne3A_363 = arith.cmpi ne, %sign3A_355, %sign3A_362 : i32
        %rem3A_364 = arith.remsi %add3A_346, %jit3A_347 : i32
        %ne3A_365 = arith.constant 0 : i32
        %ne3A_366 = arith.cmpi ne, %rem3A_364, %ne3A_365 : i32
        %and3A_367 = arith.andi %ne3A_363, %ne3A_366 : i1
        %sub3A_368 = arith.constant 1 : i32
        %sub3A_369 = arith.subi %div3A_348, %sub3A_368 : i32
        %select_n3A_370 = arith.select %and3A_367, %sub3A_369, %div3A_348 : i32
        %jit3A_371 = arith.constant 4 : i32
        %eq3A_372 = arith.constant 0 : i32
        %eq3A_373 = arith.cmpi eq, %jit3A_371, %eq3A_372 : i32
        %jit3A_374 = arith.constant 1 : i32
        %select_n3A_375 = arith.select %eq3A_373, %jit3A_374, %jit3A_371 : i32
        %rem3A_376 = arith.remsi %add3A_346, %select_n3A_375 : i32
        %ne3A_377 = arith.constant 0 : i32
        %ne3A_378 = arith.cmpi ne, %rem3A_376, %ne3A_377 : i32
        %lt3A_379 = arith.constant 0 : i32
        %lt3A_380 = arith.cmpi slt, %rem3A_376, %lt3A_379 : i32
        %lt3A_381 = arith.constant 0 : i32
        %lt3A_382 = arith.cmpi slt, %select_n3A_375, %lt3A_381 : i32
        %ne3A_383 = arith.xori %lt3A_380, %lt3A_382 : i1
        %and3A_384 = arith.andi %ne3A_383, %ne3A_378 : i1
        %add3A_385 = arith.addi %rem3A_376, %select_n3A_375 : i32
        %select_n3A_386 = arith.select %and3A_384, %add3A_385, %rem3A_376 : i32
        %dma_start3A_387 = arith.constant 0 : i32
        %dma_start3A_388 = tpu.memref_slice %arg5[%select_n3A_370, %select_n3A_386, %dma_start3A_387] : memref<16x4x128xi32, #tpu.memory_space<vmem>> -> memref<1x1x128xi32, #tpu.memory_space<vmem>>
        %dma_start3A_389 = tpu.memref_squeeze %dma_start3A_388 : memref<1x1x128xi32, #tpu.memory_space<vmem>> -> memref<128xi32, #tpu.memory_space<vmem>>
        %dma_start3A_390 = arith.constant 0 : i32
        %dma_start3A_391 = arith.constant 0 : i32
        %dma_start3A_392 = tpu.memref_slice %arg2[%dma_start3A_390, %dma_start3A_391] : memref<8192x64xf32, #tpu.memory_space<hbm>> -> memref<8192x64xf32, #tpu.memory_space<hbm>>
        tpu.enqueue_indirect_dma source(%dma_start3A_392 : memref<8192x64xf32, #tpu.memory_space<hbm>>) target(%arg6 : memref<128x64xf32, #tpu.memory_space<vmem>>) offsets(%dma_start3A_389 : memref<128xi32, #tpu.memory_space<vmem>>) semaphore(%arg10 : memref<!tpu.dma_semaphore, #tpu.memory_space<semaphore_mem>>)
      } else {
      }
      %jit3A_230 = arith.constant 4 : i32
      %div3A_231 = arith.divsi %add3A_75, %jit3A_230 : i32
      %sign3A_232 = arith.constant 0 : i32
      %sign3A_233 = arith.cmpi sgt, %add3A_75, %sign3A_232 : i32
      %sign3A_234 = arith.extui %sign3A_233 : i1 to i32
      %sign3A_235 = arith.constant 0 : i32
      %sign3A_236 = arith.cmpi slt, %add3A_75, %sign3A_235 : i32
      %sign3A_237 = arith.extui %sign3A_236 : i1 to i32
      %sign3A_238 = arith.subi %sign3A_234, %sign3A_237 : i32
      %sign3A_239 = arith.constant 0 : i32
      %sign3A_240 = arith.cmpi sgt, %jit3A_230, %sign3A_239 : i32
      %sign3A_241 = arith.extui %sign3A_240 : i1 to i32
      %sign3A_242 = arith.constant 0 : i32
      %sign3A_243 = arith.cmpi slt, %jit3A_230, %sign3A_242 : i32
      %sign3A_244 = arith.extui %sign3A_243 : i1 to i32
      %sign3A_245 = arith.subi %sign3A_241, %sign3A_244 : i32
      %ne3A_246 = arith.cmpi ne, %sign3A_238, %sign3A_245 : i32
      %rem3A_247 = arith.remsi %add3A_75, %jit3A_230 : i32
      %ne3A_248 = arith.constant 0 : i32
      %ne3A_249 = arith.cmpi ne, %rem3A_247, %ne3A_248 : i32
      %and3A_250 = arith.andi %ne3A_246, %ne3A_249 : i1
      %sub3A_251 = arith.constant 1 : i32
      %sub3A_252 = arith.subi %div3A_231, %sub3A_251 : i32
      %select_n3A_253 = arith.select %and3A_250, %sub3A_252, %div3A_231 : i32
      %jit3A_254 = arith.constant 4 : i32
      %eq3A_255 = arith.constant 0 : i32
      %eq3A_256 = arith.cmpi eq, %jit3A_254, %eq3A_255 : i32
      %jit3A_257 = arith.constant 1 : i32
      %select_n3A_258 = arith.select %eq3A_256, %jit3A_257, %jit3A_254 : i32
      %rem3A_259 = arith.remsi %add3A_75, %select_n3A_258 : i32
      %ne3A_260 = arith.constant 0 : i32
      %ne3A_261 = arith.cmpi ne, %rem3A_259, %ne3A_260 : i32
      %lt3A_262 = arith.constant 0 : i32
      %lt3A_263 = arith.cmpi slt, %rem3A_259, %lt3A_262 : i32
      %lt3A_264 = arith.constant 0 : i32
      %lt3A_265 = arith.cmpi slt, %select_n3A_258, %lt3A_264 : i32
      %ne3A_266 = arith.xori %lt3A_263, %lt3A_265 : i1
      %and3A_267 = arith.andi %ne3A_266, %ne3A_261 : i1
      %add3A_268 = arith.addi %rem3A_259, %select_n3A_258 : i32
      %select_n3A_269 = arith.select %and3A_267, %add3A_268, %rem3A_259 : i32
      %dma_wait3A_270 = arith.constant 0 : i32
      %dma_wait3A_271 = tpu.memref_slice %arg5[%select_n3A_253, %select_n3A_269, %dma_wait3A_270] : memref<16x4x128xi32, #tpu.memory_space<vmem>> -> memref<1x1x128xi32, #tpu.memory_space<vmem>>
      %dma_wait3A_272 = tpu.memref_squeeze %dma_wait3A_271 : memref<1x1x128xi32, #tpu.memory_space<vmem>> -> memref<128xi32, #tpu.memory_space<vmem>>
      %dma_wait3A_273 = arith.constant 0 : i32
      %dma_wait3A_274 = arith.constant 0 : i32
      %dma_wait3A_275 = tpu.memref_slice %arg2[%dma_wait3A_273, %dma_wait3A_274] : memref<8192x64xf32, #tpu.memory_space<hbm>> -> memref<8192x64xf32, #tpu.memory_space<hbm>>
      tpu.wait_indirect_dma semaphore(%arg11 : memref<!tpu.dma_semaphore, #tpu.memory_space<semaphore_mem>>) src(%dma_wait3A_275 : memref<8192x64xf32, #tpu.memory_space<hbm>>) dst(%arg7 : memref<128x64xf32, #tpu.memory_space<vmem>>)
      %gt3A_276 = arith.constant 0 : i32
      %gt3A_277 = arith.cmpi sgt, %scan3A_71, %gt3A_276 : i32
      %convert_element_type3A_278 = arith.extui %gt3A_277 : i1 to i32
      %cond3A_279 = arith.constant 0 : i32
      %cond3A_280 = arith.cmpi ne, %convert_element_type3A_278, %cond3A_279 : i32
      scf.if %cond3A_280 {
        %sub3A_345 = arith.constant 2 : i32
        %sub3A_346 = arith.subi %add3A_75, %sub3A_345 : i32
        %jit3A_347 = arith.constant 4 : i32
        %div3A_348 = arith.divsi %sub3A_346, %jit3A_347 : i32
        %sign3A_349 = arith.constant 0 : i32
        %sign3A_350 = arith.cmpi sgt, %sub3A_346, %sign3A_349 : i32
        %sign3A_351 = arith.extui %sign3A_350 : i1 to i32
        %sign3A_352 = arith.constant 0 : i32
        %sign3A_353 = arith.cmpi slt, %sub3A_346, %sign3A_352 : i32
        %sign3A_354 = arith.extui %sign3A_353 : i1 to i32
        %sign3A_355 = arith.subi %sign3A_351, %sign3A_354 : i32
        %sign3A_356 = arith.constant 0 : i32
        %sign3A_357 = arith.cmpi sgt, %jit3A_347, %sign3A_356 : i32
        %sign3A_358 = arith.extui %sign3A_357 : i1 to i32
        %sign3A_359 = arith.constant 0 : i32
        %sign3A_360 = arith.cmpi slt, %jit3A_347, %sign3A_359 : i32
        %sign3A_361 = arith.extui %sign3A_360 : i1 to i32
        %sign3A_362 = arith.subi %sign3A_358, %sign3A_361 : i32
        %ne3A_363 = arith.cmpi ne, %sign3A_355, %sign3A_362 : i32
        %rem3A_364 = arith.remsi %sub3A_346, %jit3A_347 : i32
        %ne3A_365 = arith.constant 0 : i32
        %ne3A_366 = arith.cmpi ne, %rem3A_364, %ne3A_365 : i32
        %and3A_367 = arith.andi %ne3A_363, %ne3A_366 : i1
        %sub3A_368 = arith.constant 1 : i32
        %sub3A_369 = arith.subi %div3A_348, %sub3A_368 : i32
        %select_n3A_370 = arith.select %and3A_367, %sub3A_369, %div3A_348 : i32
        %jit3A_371 = arith.constant 4 : i32
        %eq3A_372 = arith.constant 0 : i32
        %eq3A_373 = arith.cmpi eq, %jit3A_371, %eq3A_372 : i32
        %jit3A_374 = arith.constant 1 : i32
        %select_n3A_375 = arith.select %eq3A_373, %jit3A_374, %jit3A_371 : i32
        %rem3A_376 = arith.remsi %sub3A_346, %select_n3A_375 : i32
        %ne3A_377 = arith.constant 0 : i32
        %ne3A_378 = arith.cmpi ne, %rem3A_376, %ne3A_377 : i32
        %lt3A_379 = arith.constant 0 : i32
        %lt3A_380 = arith.cmpi slt, %rem3A_376, %lt3A_379 : i32
        %lt3A_381 = arith.constant 0 : i32
        %lt3A_382 = arith.cmpi slt, %select_n3A_375, %lt3A_381 : i32
        %ne3A_383 = arith.xori %lt3A_380, %lt3A_382 : i1
        %and3A_384 = arith.andi %ne3A_383, %ne3A_378 : i1
        %add3A_385 = arith.addi %rem3A_376, %select_n3A_375 : i32
        %select_n3A_386 = arith.select %and3A_384, %add3A_385, %rem3A_376 : i32
        %dma_wait3A_387 = arith.constant 0 : i32
        %dma_wait3A_388 = arith.constant 0 : i32
        %dma_wait3A_389 = arith.constant 0 : i32
        %dma_wait3A_390 = tpu.memref_slice %arg9[%dma_wait3A_387, %dma_wait3A_388, %dma_wait3A_389] : memref<8x8x129xf32, #tpu.memory_space<vmem>> -> memref<8x8x128xf32, #tpu.memory_space<vmem>>
        %dma_wait3A_391 = arith.constant 0 : i32
        %dma_wait3A_392 = arith.constant 0 : i32
        %dma_wait3A_393 = arith.constant 0 : i32
        %dma_wait3A_394 = tpu.memref_slice %arg4[%add3A, %select_n3A_386, %dma_wait3A_391, %select_n3A_370, %dma_wait3A_392, %dma_wait3A_393] : memref<32x4x8x16x8x128xf32, #tpu.memory_space<hbm>> -> memref<1x1x8x1x8x128xf32, #tpu.memory_space<hbm>>
        %dma_wait3A_395 = tpu.memref_squeeze %dma_wait3A_394 : memref<1x1x8x1x8x128xf32, #tpu.memory_space<hbm>> -> memref<8x8x128xf32, #tpu.memory_space<hbm>>
        %dma_wait3A_396 = arith.constant 0 : i32
        %dma_wait3A_397 = arith.constant 0 : i32
        %dma_wait3A_398 = arith.constant 0 : i32
        %dma_wait3A_399 = tpu.memref_slice %arg4[%add3A, %select_n3A_386, %dma_wait3A_396, %select_n3A_370, %dma_wait3A_397, %dma_wait3A_398] : memref<32x4x8x16x8x128xf32, #tpu.memory_space<hbm>> -> memref<1x1x8x1x8x128xf32, #tpu.memory_space<hbm>>
        %dma_wait3A_400 = tpu.memref_squeeze %dma_wait3A_399 : memref<1x1x8x1x8x128xf32, #tpu.memory_space<hbm>> -> memref<8x8x128xf32, #tpu.memory_space<hbm>>
        %dma_wait3A_401 = arith.constant 0 : i32
        %dma_wait3A_402 = arith.constant 0 : i32
        %dma_wait3A_403 = arith.constant 0 : i32
        %dma_wait3A_404 = tpu.memref_slice %arg9[%dma_wait3A_401, %dma_wait3A_402, %dma_wait3A_403] : memref<8x8x129xf32, #tpu.memory_space<vmem>> -> memref<8x8x128xf32, #tpu.memory_space<vmem>>
        tpu.wait_dma2 semaphore(%arg13 : memref<!tpu.dma_semaphore, #tpu.memory_space<semaphore_mem>>) src(%dma_wait3A_404 : memref<8x8x128xf32, #tpu.memory_space<vmem>>) dst(%dma_wait3A_400 : memref<8x8x128xf32, #tpu.memory_space<hbm>>)
      } else {
      }
      %scan3A_281 = arith.constant 0 : i32
      %scan3A_282 = arith.constant 0 : i32
      %scan3A_283 = arith.constant 8 : i32
      %scan3A_284 = arith.addi %scan3A_282, %scan3A_283 : i32
      %scan3A_285 = arith.constant 1 : i32
      scf.for %scan3A_345 = %scan3A_282 to %scan3A_284 step %scan3A_285  : i32 {
        %mul3A_346 = arith.constant 16 : i32
        %mul3A_347 = arith.muli %scan3A_345, %mul3A_346 : i32
        %add3A_348 = arith.constant 0 : i32
        %add3A_349 = arith.addi %mul3A_347, %add3A_348 : i32
        %add3A_350 = arith.constant 0 : i32
        %add3A_351 = arith.addi %add3A_349, %add3A_350 : i32
        %get3A = arith.index_cast %add3A_351 : i32 to index
        %get3A_352 = arith.constant 0 : index
        %get3A_353 = tpu.vector_load %arg7[%get3A, %get3A_352] {strides = array<i32>} : memref<128x64xf32, #tpu.memory_space<vmem>>, vector<16xf32>,
        %get3A_354 = arith.index_cast %add3A_351 : i32 to index
        %get3A_355 = arith.constant 16 : index
        %get3A_356 = tpu.vector_load %arg7[%get3A_354, %get3A_355] {strides = array<i32>} : memref<128x64xf32, #tpu.memory_space<vmem>>, vector<16xf32>,
        %get3A_357 = arith.index_cast %add3A_351 : i32 to index
        %get3A_358 = arith.constant 32 : index
        %get3A_359 = tpu.vector_load %arg7[%get3A_357, %get3A_358] {strides = array<i32>} : memref<128x64xf32, #tpu.memory_space<vmem>>, vector<16xf32>,
        %get3A_360 = arith.index_cast %add3A_351 : i32 to index
        %get3A_361 = arith.constant 48 : index
        %get3A_362 = tpu.vector_load %arg7[%get3A_360, %get3A_361] {strides = array<i32>} : memref<128x64xf32, #tpu.memory_space<vmem>>, vector<16xf32>,
        %add3A_363 = arith.constant 0 : i32
        %add3A_364 = arith.addi %mul3A_347, %add3A_363 : i32
        %add3A_365 = arith.constant 1 : i32
        %add3A_366 = arith.addi %add3A_364, %add3A_365 : i32
        %get3A_367 = arith.index_cast %add3A_366 : i32 to index
        %get3A_368 = arith.constant 0 : index
        %get3A_369 = tpu.vector_load %arg7[%get3A_367, %get3A_368] {strides = array<i32>} : memref<128x64xf32, #tpu.memory_space<vmem>>, vector<16xf32>,
        %get3A_370 = arith.index_cast %add3A_366 : i32 to index
        %get3A_371 = arith.constant 16 : index
        %get3A_372 = tpu.vector_load %arg7[%get3A_370, %get3A_371] {strides = array<i32>} : memref<128x64xf32, #tpu.memory_space<vmem>>, vector<16xf32>,
        %get3A_373 = arith.index_cast %add3A_366 : i32 to index
        %get3A_374 = arith.constant 32 : index
        %get3A_375 = tpu.vector_load %arg7[%get3A_373, %get3A_374] {strides = array<i32>} : memref<128x64xf32, #tpu.memory_space<vmem>>, vector<16xf32>,
        %get3A_376 = arith.index_cast %add3A_366 : i32 to index
        %get3A_377 = arith.constant 48 : index
        %get3A_378 = tpu.vector_load %arg7[%get3A_376, %get3A_377] {strides = array<i32>} : memref<128x64xf32, #tpu.memory_space<vmem>>, vector<16xf32>,
        %add3A_379 = arith.constant 0 : i32
        %add3A_380 = arith.addi %mul3A_347, %add3A_379 : i32
        %add3A_381 = arith.constant 2 : i32
        %add3A_382 = arith.addi %add3A_380, %add3A_381 : i32
        %get3A_383 = arith.index_cast %add3A_382 : i32 to index
        %get3A_384 = arith.constant 0 : index
        %get3A_385 = tpu.vector_load %arg7[%get3A_383, %get3A_384] {strides = array<i32>} : memref<128x64xf32, #tpu.memory_space<vmem>>, vector<16xf32>,
        %get3A_386 = arith.index_cast %add3A_382 : i32 to index
        %get3A_387 = arith.constant 16 : index
        %get3A_388 = tpu.vector_load %arg7[%get3A_386, %get3A_387] {strides = array<i32>} : memref<128x64xf32, #tpu.memory_space<vmem>>, vector<16xf32>,
        %get3A_389 = arith.index_cast %add3A_382 : i32 to index
        %get3A_390 = arith.constant 32 : index
        %get3A_391 = tpu.vector_load %arg7[%get3A_389, %get3A_390] {strides = array<i32>} : memref<128x64xf32, #tpu.memory_space<vmem>>, vector<16xf32>,
        %get3A_392 = arith.index_cast %add3A_382 : i32 to index
        %get3A_393 = arith.constant 48 : index
        %get3A_394 = tpu.vector_load %arg7[%get3A_392, %get3A_393] {strides = array<i32>} : memref<128x64xf32, #tpu.memory_space<vmem>>, vector<16xf32>,
        %add3A_395 = arith.constant 0 : i32
        %add3A_396 = arith.addi %mul3A_347, %add3A_395 : i32
        %add3A_397 = arith.constant 3 : i32
        %add3A_398 = arith.addi %add3A_396, %add3A_397 : i32
        %get3A_399 = arith.index_cast %add3A_398 : i32 to index
        %get3A_400 = arith.constant 0 : index
        %get3A_401 = tpu.vector_load %arg7[%get3A_399, %get3A_400] {strides = array<i32>} : memref<128x64xf32, #tpu.memory_space<vmem>>, vector<16xf32>,
        %get3A_402 = arith.index_cast %add3A_398 : i32 to index
        %get3A_403 = arith.constant 16 : index
        %get3A_404 = tpu.vector_load %arg7[%get3A_402, %get3A_403] {strides = array<i32>} : memref<128x64xf32, #tpu.memory_space<vmem>>, vector<16xf32>,
        %get3A_405 = arith.index_cast %add3A_398 : i32 to index
        %get3A_406 = arith.constant 32 : index
        %get3A_407 = tpu.vector_load %arg7[%get3A_405, %get3A_406] {strides = array<i32>} : memref<128x64xf32, #tpu.memory_space<vmem>>, vector<16xf32>,
        %get3A_408 = arith.index_cast %add3A_398 : i32 to index
        %get3A_409 = arith.constant 48 : index
        %get3A_410 = tpu.vector_load %arg7[%get3A_408, %get3A_409] {strides = array<i32>} : memref<128x64xf32, #tpu.memory_space<vmem>>, vector<16xf32>,
        %add3A_411 = vector.broadcast %add3A_351 : i32 to vector<16xi32>
        %add3A_412 = arith.addi %and3A_19, %add3A_411 : vector<16xi32>
        tpu.vector_store_idx %arg9[%add3A_7, %and3A_2, %add3A_412], %get3A_353 : memref<8x8x129xf32, #tpu.memory_space<vmem>>[vector<16xi32>, vector<16xi32>, vector<16xi32>], vector<16xf32>,
        %add3A_413 = vector.broadcast %add3A_351 : i32 to vector<16xi32>
        %add3A_414 = arith.addi %and3A_19, %add3A_413 : vector<16xi32>
        tpu.vector_store_idx %arg9[%add3A_10, %and3A_2, %add3A_414], %get3A_356 : memref<8x8x129xf32, #tpu.memory_space<vmem>>[vector<16xi32>, vector<16xi32>, vector<16xi32>], vector<16xf32>,
        %add3A_415 = vector.broadcast %add3A_351 : i32 to vector<16xi32>
        %add3A_416 = arith.addi %and3A_19, %add3A_415 : vector<16xi32>
        tpu.vector_store_idx %arg9[%add3A_13, %and3A_2, %add3A_416], %get3A_359 : memref<8x8x129xf32, #tpu.memory_space<vmem>>[vector<16xi32>, vector<16xi32>, vector<16xi32>], vector<16xf32>,
        %add3A_417 = vector.broadcast %add3A_351 : i32 to vector<16xi32>
        %add3A_418 = arith.addi %and3A_19, %add3A_417 : vector<16xi32>
        tpu.vector_store_idx %arg9[%add3A_16, %and3A_2, %add3A_418], %get3A_362 : memref<8x8x129xf32, #tpu.memory_space<vmem>>[vector<16xi32>, vector<16xi32>, vector<16xi32>], vector<16xf32>,
        %add3A_419 = vector.broadcast %add3A_366 : i32 to vector<16xi32>
        %add3A_420 = arith.addi %and3A_19, %add3A_419 : vector<16xi32>
        tpu.vector_store_idx %arg9[%add3A_7, %and3A_2, %add3A_420], %get3A_369 : memref<8x8x129xf32, #tpu.memory_space<vmem>>[vector<16xi32>, vector<16xi32>, vector<16xi32>], vector<16xf32>,
        %add3A_421 = vector.broadcast %add3A_366 : i32 to vector<16xi32>
        %add3A_422 = arith.addi %and3A_19, %add3A_421 : vector<16xi32>
        tpu.vector_store_idx %arg9[%add3A_10, %and3A_2, %add3A_422], %get3A_372 : memref<8x8x129xf32, #tpu.memory_space<vmem>>[vector<16xi32>, vector<16xi32>, vector<16xi32>], vector<16xf32>,
        %add3A_423 = vector.broadcast %add3A_366 : i32 to vector<16xi32>
        %add3A_424 = arith.addi %and3A_19, %add3A_423 : vector<16xi32>
        tpu.vector_store_idx %arg9[%add3A_13, %and3A_2, %add3A_424], %get3A_375 : memref<8x8x129xf32, #tpu.memory_space<vmem>>[vector<16xi32>, vector<16xi32>, vector<16xi32>], vector<16xf32>,
        %add3A_425 = vector.broadcast %add3A_366 : i32 to vector<16xi32>
        %add3A_426 = arith.addi %and3A_19, %add3A_425 : vector<16xi32>
        tpu.vector_store_idx %arg9[%add3A_16, %and3A_2, %add3A_426], %get3A_378 : memref<8x8x129xf32, #tpu.memory_space<vmem>>[vector<16xi32>, vector<16xi32>, vector<16xi32>], vector<16xf32>,
        %add3A_427 = vector.broadcast %add3A_382 : i32 to vector<16xi32>
        %add3A_428 = arith.addi %and3A_19, %add3A_427 : vector<16xi32>
        tpu.vector_store_idx %arg9[%add3A_7, %and3A_2, %add3A_428], %get3A_385 : memref<8x8x129xf32, #tpu.memory_space<vmem>>[vector<16xi32>, vector<16xi32>, vector<16xi32>], vector<16xf32>,
        %add3A_429 = vector.broadcast %add3A_382 : i32 to vector<16xi32>
        %add3A_430 = arith.addi %and3A_19, %add3A_429 : vector<16xi32>
        tpu.vector_store_idx %arg9[%add3A_10, %and3A_2, %add3A_430], %get3A_388 : memref<8x8x129xf32, #tpu.memory_space<vmem>>[vector<16xi32>, vector<16xi32>, vector<16xi32>], vector<16xf32>,
        %add3A_431 = vector.broadcast %add3A_382 : i32 to vector<16xi32>
        %add3A_432 = arith.addi %and3A_19, %add3A_431 : vector<16xi32>
        tpu.vector_store_idx %arg9[%add3A_13, %and3A_2, %add3A_432], %get3A_391 : memref<8x8x129xf32, #tpu.memory_space<vmem>>[vector<16xi32>, vector<16xi32>, vector<16xi32>], vector<16xf32>,
        %add3A_433 = vector.broadcast %add3A_382 : i32 to vector<16xi32>
        %add3A_434 = arith.addi %and3A_19, %add3A_433 : vector<16xi32>
        tpu.vector_store_idx %arg9[%add3A_16, %and3A_2, %add3A_434], %get3A_394 : memref<8x8x129xf32, #tpu.memory_space<vmem>>[vector<16xi32>, vector<16xi32>, vector<16xi32>], vector<16xf32>,
        %add3A_435 = vector.broadcast %add3A_398 : i32 to vector<16xi32>
        %add3A_436 = arith.addi %and3A_19, %add3A_435 : vector<16xi32>
        tpu.vector_store_idx %arg9[%add3A_7, %and3A_2, %add3A_436], %get3A_401 : memref<8x8x129xf32, #tpu.memory_space<vmem>>[vector<16xi32>, vector<16xi32>, vector<16xi32>], vector<16xf32>,
        %add3A_437 = vector.broadcast %add3A_398 : i32 to vector<16xi32>
        %add3A_438 = arith.addi %and3A_19, %add3A_437 : vector<16xi32>
        tpu.vector_store_idx %arg9[%add3A_10, %and3A_2, %add3A_438], %get3A_404 : memref<8x8x129xf32, #tpu.memory_space<vmem>>[vector<16xi32>, vector<16xi32>, vector<16xi32>], vector<16xf32>,
        %add3A_439 = vector.broadcast %add3A_398 : i32 to vector<16xi32>
        %add3A_440 = arith.addi %and3A_19, %add3A_439 : vector<16xi32>
        tpu.vector_store_idx %arg9[%add3A_13, %and3A_2, %add3A_440], %get3A_407 : memref<8x8x129xf32, #tpu.memory_space<vmem>>[vector<16xi32>, vector<16xi32>, vector<16xi32>], vector<16xf32>,
        %add3A_441 = vector.broadcast %add3A_398 : i32 to vector<16xi32>
        %add3A_442 = arith.addi %and3A_19, %add3A_441 : vector<16xi32>
        tpu.vector_store_idx %arg9[%add3A_16, %and3A_2, %add3A_442], %get3A_410 : memref<8x8x129xf32, #tpu.memory_space<vmem>>[vector<16xi32>, vector<16xi32>, vector<16xi32>], vector<16xf32>,
        %add3A_443 = arith.constant 4 : i32
        %add3A_444 = arith.addi %mul3A_347, %add3A_443 : i32
        %add3A_445 = arith.constant 0 : i32
        %add3A_446 = arith.addi %add3A_444, %add3A_445 : i32
        %get3A_447 = arith.index_cast %add3A_446 : i32 to index
        %get3A_448 = arith.constant 0 : index
        %get3A_449 = tpu.vector_load %arg7[%get3A_447, %get3A_448] {strides = array<i32>} : memref<128x64xf32, #tpu.memory_space<vmem>>, vector<16xf32>,
        %get3A_450 = arith.index_cast %add3A_446 : i32 to index
        %get3A_451 = arith.constant 16 : index
        %get3A_452 = tpu.vector_load %arg7[%get3A_450, %get3A_451] {strides = array<i32>} : memref<128x64xf32, #tpu.memory_space<vmem>>, vector<16xf32>,
        %get3A_453 = arith.index_cast %add3A_446 : i32 to index
        %get3A_454 = arith.constant 32 : index
        %get3A_455 = tpu.vector_load %arg7[%get3A_453, %get3A_454] {strides = array<i32>} : memref<128x64xf32, #tpu.memory_space<vmem>>, vector<16xf32>,
        %get3A_456 = arith.index_cast %add3A_446 : i32 to index
        %get3A_457 = arith.constant 48 : index
        %get3A_458 = tpu.vector_load %arg7[%get3A_456, %get3A_457] {strides = array<i32>} : memref<128x64xf32, #tpu.memory_space<vmem>>, vector<16xf32>,
        %add3A_459 = arith.constant 4 : i32
        %add3A_460 = arith.addi %mul3A_347, %add3A_459 : i32
        %add3A_461 = arith.constant 1 : i32
        %add3A_462 = arith.addi %add3A_460, %add3A_461 : i32
        %get3A_463 = arith.index_cast %add3A_462 : i32 to index
        %get3A_464 = arith.constant 0 : index
        %get3A_465 = tpu.vector_load %arg7[%get3A_463, %get3A_464] {strides = array<i32>} : memref<128x64xf32, #tpu.memory_space<vmem>>, vector<16xf32>,
        %get3A_466 = arith.index_cast %add3A_462 : i32 to index
        %get3A_467 = arith.constant 16 : index
        %get3A_468 = tpu.vector_load %arg7[%get3A_466, %get3A_467] {strides = array<i32>} : memref<128x64xf32, #tpu.memory_space<vmem>>, vector<16xf32>,
        %get3A_469 = arith.index_cast %add3A_462 : i32 to index
        %get3A_470 = arith.constant 32 : index
        %get3A_471 = tpu.vector_load %arg7[%get3A_469, %get3A_470] {strides = array<i32>} : memref<128x64xf32, #tpu.memory_space<vmem>>, vector<16xf32>,
        %get3A_472 = arith.index_cast %add3A_462 : i32 to index
        %get3A_473 = arith.constant 48 : index
        %get3A_474 = tpu.vector_load %arg7[%get3A_472, %get3A_473] {strides = array<i32>} : memref<128x64xf32, #tpu.memory_space<vmem>>, vector<16xf32>,
        %add3A_475 = arith.constant 4 : i32
        %add3A_476 = arith.addi %mul3A_347, %add3A_475 : i32
        %add3A_477 = arith.constant 2 : i32
        %add3A_478 = arith.addi %add3A_476, %add3A_477 : i32
        %get3A_479 = arith.index_cast %add3A_478 : i32 to index
        %get3A_480 = arith.constant 0 : index
        %get3A_481 = tpu.vector_load %arg7[%get3A_479, %get3A_480] {strides = array<i32>} : memref<128x64xf32, #tpu.memory_space<vmem>>, vector<16xf32>,
        %get3A_482 = arith.index_cast %add3A_478 : i32 to index
        %get3A_483 = arith.constant 16 : index
        %get3A_484 = tpu.vector_load %arg7[%get3A_482, %get3A_483] {strides = array<i32>} : memref<128x64xf32, #tpu.memory_space<vmem>>, vector<16xf32>,
        %get3A_485 = arith.index_cast %add3A_478 : i32 to index
        %get3A_486 = arith.constant 32 : index
        %get3A_487 = tpu.vector_load %arg7[%get3A_485, %get3A_486] {strides = array<i32>} : memref<128x64xf32, #tpu.memory_space<vmem>>, vector<16xf32>,
        %get3A_488 = arith.index_cast %add3A_478 : i32 to index
        %get3A_489 = arith.constant 48 : index
        %get3A_490 = tpu.vector_load %arg7[%get3A_488, %get3A_489] {strides = array<i32>} : memref<128x64xf32, #tpu.memory_space<vmem>>, vector<16xf32>,
        %add3A_491 = arith.constant 4 : i32
        %add3A_492 = arith.addi %mul3A_347, %add3A_491 : i32
        %add3A_493 = arith.constant 3 : i32
        %add3A_494 = arith.addi %add3A_492, %add3A_493 : i32
        %get3A_495 = arith.index_cast %add3A_494 : i32 to index
        %get3A_496 = arith.constant 0 : index
        %get3A_497 = tpu.vector_load %arg7[%get3A_495, %get3A_496] {strides = array<i32>} : memref<128x64xf32, #tpu.memory_space<vmem>>, vector<16xf32>,
        %get3A_498 = arith.index_cast %add3A_494 : i32 to index
        %get3A_499 = arith.constant 16 : index
        %get3A_500 = tpu.vector_load %arg7[%get3A_498, %get3A_499] {strides = array<i32>} : memref<128x64xf32, #tpu.memory_space<vmem>>, vector<16xf32>,
        %get3A_501 = arith.index_cast %add3A_494 : i32 to index
        %get3A_502 = arith.constant 32 : index
        %get3A_503 = tpu.vector_load %arg7[%get3A_501, %get3A_502] {strides = array<i32>} : memref<128x64xf32, #tpu.memory_space<vmem>>, vector<16xf32>,
        %get3A_504 = arith.index_cast %add3A_494 : i32 to index
        %get3A_505 = arith.constant 48 : index
        %get3A_506 = tpu.vector_load %arg7[%get3A_504, %get3A_505] {strides = array<i32>} : memref<128x64xf32, #tpu.memory_space<vmem>>, vector<16xf32>,
        %add3A_507 = vector.broadcast %add3A_446 : i32 to vector<16xi32>
        %add3A_508 = arith.addi %and3A_19, %add3A_507 : vector<16xi32>
        tpu.vector_store_idx %arg9[%add3A_7, %and3A_2, %add3A_508], %get3A_449 : memref<8x8x129xf32, #tpu.memory_space<vmem>>[vector<16xi32>, vector<16xi32>, vector<16xi32>], vector<16xf32>,
        %add3A_509 = vector.broadcast %add3A_446 : i32 to vector<16xi32>
        %add3A_510 = arith.addi %and3A_19, %add3A_509 : vector<16xi32>
        tpu.vector_store_idx %arg9[%add3A_10, %and3A_2, %add3A_510], %get3A_452 : memref<8x8x129xf32, #tpu.memory_space<vmem>>[vector<16xi32>, vector<16xi32>, vector<16xi32>], vector<16xf32>,
        %add3A_511 = vector.broadcast %add3A_446 : i32 to vector<16xi32>
        %add3A_512 = arith.addi %and3A_19, %add3A_511 : vector<16xi32>
        tpu.vector_store_idx %arg9[%add3A_13, %and3A_2, %add3A_512], %get3A_455 : memref<8x8x129xf32, #tpu.memory_space<vmem>>[vector<16xi32>, vector<16xi32>, vector<16xi32>], vector<16xf32>,
        %add3A_513 = vector.broadcast %add3A_446 : i32 to vector<16xi32>
        %add3A_514 = arith.addi %and3A_19, %add3A_513 : vector<16xi32>
        tpu.vector_store_idx %arg9[%add3A_16, %and3A_2, %add3A_514], %get3A_458 : memref<8x8x129xf32, #tpu.memory_space<vmem>>[vector<16xi32>, vector<16xi32>, vector<16xi32>], vector<16xf32>,
        %add3A_515 = vector.broadcast %add3A_462 : i32 to vector<16xi32>
        %add3A_516 = arith.addi %and3A_19, %add3A_515 : vector<16xi32>
        tpu.vector_store_idx %arg9[%add3A_7, %and3A_2, %add3A_516], %get3A_465 : memref<8x8x129xf32, #tpu.memory_space<vmem>>[vector<16xi32>, vector<16xi32>, vector<16xi32>], vector<16xf32>,
        %add3A_517 = vector.broadcast %add3A_462 : i32 to vector<16xi32>
        %add3A_518 = arith.addi %and3A_19, %add3A_517 : vector<16xi32>
        tpu.vector_store_idx %arg9[%add3A_10, %and3A_2, %add3A_518], %get3A_468 : memref<8x8x129xf32, #tpu.memory_space<vmem>>[vector<16xi32>, vector<16xi32>, vector<16xi32>], vector<16xf32>,
        %add3A_519 = vector.broadcast %add3A_462 : i32 to vector<16xi32>
        %add3A_520 = arith.addi %and3A_19, %add3A_519 : vector<16xi32>
        tpu.vector_store_idx %arg9[%add3A_13, %and3A_2, %add3A_520], %get3A_471 : memref<8x8x129xf32, #tpu.memory_space<vmem>>[vector<16xi32>, vector<16xi32>, vector<16xi32>], vector<16xf32>,
        %add3A_521 = vector.broadcast %add3A_462 : i32 to vector<16xi32>
        %add3A_522 = arith.addi %and3A_19, %add3A_521 : vector<16xi32>
        tpu.vector_store_idx %arg9[%add3A_16, %and3A_2, %add3A_522], %get3A_474 : memref<8x8x129xf32, #tpu.memory_space<vmem>>[vector<16xi32>, vector<16xi32>, vector<16xi32>], vector<16xf32>,
        %add3A_523 = vector.broadcast %add3A_478 : i32 to vector<16xi32>
        %add3A_524 = arith.addi %and3A_19, %add3A_523 : vector<16xi32>
        tpu.vector_store_idx %arg9[%add3A_7, %and3A_2, %add3A_524], %get3A_481 : memref<8x8x129xf32, #tpu.memory_space<vmem>>[vector<16xi32>, vector<16xi32>, vector<16xi32>], vector<16xf32>,
        %add3A_525 = vector.broadcast %add3A_478 : i32 to vector<16xi32>
        %add3A_526 = arith.addi %and3A_19, %add3A_525 : vector<16xi32>
        tpu.vector_store_idx %arg9[%add3A_10, %and3A_2, %add3A_526], %get3A_484 : memref<8x8x129xf32, #tpu.memory_space<vmem>>[vector<16xi32>, vector<16xi32>, vector<16xi32>], vector<16xf32>,
        %add3A_527 = vector.broadcast %add3A_478 : i32 to vector<16xi32>
        %add3A_528 = arith.addi %and3A_19, %add3A_527 : vector<16xi32>
        tpu.vector_store_idx %arg9[%add3A_13, %and3A_2, %add3A_528], %get3A_487 : memref<8x8x129xf32, #tpu.memory_space<vmem>>[vector<16xi32>, vector<16xi32>, vector<16xi32>], vector<16xf32>,
        %add3A_529 = vector.broadcast %add3A_478 : i32 to vector<16xi32>
        %add3A_530 = arith.addi %and3A_19, %add3A_529 : vector<16xi32>
        tpu.vector_store_idx %arg9[%add3A_16, %and3A_2, %add3A_530], %get3A_490 : memref<8x8x129xf32, #tpu.memory_space<vmem>>[vector<16xi32>, vector<16xi32>, vector<16xi32>], vector<16xf32>,
        %add3A_531 = vector.broadcast %add3A_494 : i32 to vector<16xi32>
        %add3A_532 = arith.addi %and3A_19, %add3A_531 : vector<16xi32>
        tpu.vector_store_idx %arg9[%add3A_7, %and3A_2, %add3A_532], %get3A_497 : memref<8x8x129xf32, #tpu.memory_space<vmem>>[vector<16xi32>, vector<16xi32>, vector<16xi32>], vector<16xf32>,
        %add3A_533 = vector.broadcast %add3A_494 : i32 to vector<16xi32>
        %add3A_534 = arith.addi %and3A_19, %add3A_533 : vector<16xi32>
        tpu.vector_store_idx %arg9[%add3A_10, %and3A_2, %add3A_534], %get3A_500 : memref<8x8x129xf32, #tpu.memory_space<vmem>>[vector<16xi32>, vector<16xi32>, vector<16xi32>], vector<16xf32>,
        %add3A_535 = vector.broadcast %add3A_494 : i32 to vector<16xi32>
        %add3A_536 = arith.addi %and3A_19, %add3A_535 : vector<16xi32>
        tpu.vector_store_idx %arg9[%add3A_13, %and3A_2, %add3A_536], %get3A_503 : memref<8x8x129xf32, #tpu.memory_space<vmem>>[vector<16xi32>, vector<16xi32>, vector<16xi32>], vector<16xf32>,
        %add3A_537 = vector.broadcast %add3A_494 : i32 to vector<16xi32>
        %add3A_538 = arith.addi %and3A_19, %add3A_537 : vector<16xi32>
        tpu.vector_store_idx %arg9[%add3A_16, %and3A_2, %add3A_538], %get3A_506 : memref<8x8x129xf32, #tpu.memory_space<vmem>>[vector<16xi32>, vector<16xi32>, vector<16xi32>], vector<16xf32>,
        %add3A_539 = arith.constant 8 : i32
        %add3A_540 = arith.addi %mul3A_347, %add3A_539 : i32
        %add3A_541 = arith.constant 0 : i32
        %add3A_542 = arith.addi %add3A_540, %add3A_541 : i32
        %get3A_543 = arith.index_cast %add3A_542 : i32 to index
        %get3A_544 = arith.constant 0 : index
        %get3A_545 = tpu.vector_load %arg7[%get3A_543, %get3A_544] {strides = array<i32>} : memref<128x64xf32, #tpu.memory_space<vmem>>, vector<16xf32>,
        %get3A_546 = arith.index_cast %add3A_542 : i32 to index
        %get3A_547 = arith.constant 16 : index
        %get3A_548 = tpu.vector_load %arg7[%get3A_546, %get3A_547] {strides = array<i32>} : memref<128x64xf32, #tpu.memory_space<vmem>>, vector<16xf32>,
        %get3A_549 = arith.index_cast %add3A_542 : i32 to index
        %get3A_550 = arith.constant 32 : index
        %get3A_551 = tpu.vector_load %arg7[%get3A_549, %get3A_550] {strides = array<i32>} : memref<128x64xf32, #tpu.memory_space<vmem>>, vector<16xf32>,
        %get3A_552 = arith.index_cast %add3A_542 : i32 to index
        %get3A_553 = arith.constant 48 : index
        %get3A_554 = tpu.vector_load %arg7[%get3A_552, %get3A_553] {strides = array<i32>} : memref<128x64xf32, #tpu.memory_space<vmem>>, vector<16xf32>,
        %add3A_555 = arith.constant 8 : i32
        %add3A_556 = arith.addi %mul3A_347, %add3A_555 : i32
        %add3A_557 = arith.constant 1 : i32
        %add3A_558 = arith.addi %add3A_556, %add3A_557 : i32
        %get3A_559 = arith.index_cast %add3A_558 : i32 to index
        %get3A_560 = arith.constant 0 : index
        %get3A_561 = tpu.vector_load %arg7[%get3A_559, %get3A_560] {strides = array<i32>} : memref<128x64xf32, #tpu.memory_space<vmem>>, vector<16xf32>,
        %get3A_562 = arith.index_cast %add3A_558 : i32 to index
        %get3A_563 = arith.constant 16 : index
        %get3A_564 = tpu.vector_load %arg7[%get3A_562, %get3A_563] {strides = array<i32>} : memref<128x64xf32, #tpu.memory_space<vmem>>, vector<16xf32>,
        %get3A_565 = arith.index_cast %add3A_558 : i32 to index
        %get3A_566 = arith.constant 32 : index
        %get3A_567 = tpu.vector_load %arg7[%get3A_565, %get3A_566] {strides = array<i32>} : memref<128x64xf32, #tpu.memory_space<vmem>>, vector<16xf32>,
        %get3A_568 = arith.index_cast %add3A_558 : i32 to index
        %get3A_569 = arith.constant 48 : index
        %get3A_570 = tpu.vector_load %arg7[%get3A_568, %get3A_569] {strides = array<i32>} : memref<128x64xf32, #tpu.memory_space<vmem>>, vector<16xf32>,
        %add3A_571 = arith.constant 8 : i32
        %add3A_572 = arith.addi %mul3A_347, %add3A_571 : i32
        %add3A_573 = arith.constant 2 : i32
        %add3A_574 = arith.addi %add3A_572, %add3A_573 : i32
        %get3A_575 = arith.index_cast %add3A_574 : i32 to index
        %get3A_576 = arith.constant 0 : index
        %get3A_577 = tpu.vector_load %arg7[%get3A_575, %get3A_576] {strides = array<i32>} : memref<128x64xf32, #tpu.memory_space<vmem>>, vector<16xf32>,
        %get3A_578 = arith.index_cast %add3A_574 : i32 to index
        %get3A_579 = arith.constant 16 : index
        %get3A_580 = tpu.vector_load %arg7[%get3A_578, %get3A_579] {strides = array<i32>} : memref<128x64xf32, #tpu.memory_space<vmem>>, vector<16xf32>,
        %get3A_581 = arith.index_cast %add3A_574 : i32 to index
        %get3A_582 = arith.constant 32 : index
        %get3A_583 = tpu.vector_load %arg7[%get3A_581, %get3A_582] {strides = array<i32>} : memref<128x64xf32, #tpu.memory_space<vmem>>, vector<16xf32>,
        %get3A_584 = arith.index_cast %add3A_574 : i32 to index
        %get3A_585 = arith.constant 48 : index
        %get3A_586 = tpu.vector_load %arg7[%get3A_584, %get3A_585] {strides = array<i32>} : memref<128x64xf32, #tpu.memory_space<vmem>>, vector<16xf32>,
        %add3A_587 = arith.constant 8 : i32
        %add3A_588 = arith.addi %mul3A_347, %add3A_587 : i32
        %add3A_589 = arith.constant 3 : i32
        %add3A_590 = arith.addi %add3A_588, %add3A_589 : i32
        %get3A_591 = arith.index_cast %add3A_590 : i32 to index
        %get3A_592 = arith.constant 0 : index
        %get3A_593 = tpu.vector_load %arg7[%get3A_591, %get3A_592] {strides = array<i32>} : memref<128x64xf32, #tpu.memory_space<vmem>>, vector<16xf32>,
        %get3A_594 = arith.index_cast %add3A_590 : i32 to index
        %get3A_595 = arith.constant 16 : index
        %get3A_596 = tpu.vector_load %arg7[%get3A_594, %get3A_595] {strides = array<i32>} : memref<128x64xf32, #tpu.memory_space<vmem>>, vector<16xf32>,
        %get3A_597 = arith.index_cast %add3A_590 : i32 to index
        %get3A_598 = arith.constant 32 : index
        %get3A_599 = tpu.vector_load %arg7[%get3A_597, %get3A_598] {strides = array<i32>} : memref<128x64xf32, #tpu.memory_space<vmem>>, vector<16xf32>,
        %get3A_600 = arith.index_cast %add3A_590 : i32 to index
        %get3A_601 = arith.constant 48 : index
        %get3A_602 = tpu.vector_load %arg7[%get3A_600, %get3A_601] {strides = array<i32>} : memref<128x64xf32, #tpu.memory_space<vmem>>, vector<16xf32>,
        %add3A_603 = vector.broadcast %add3A_542 : i32 to vector<16xi32>
        %add3A_604 = arith.addi %and3A_19, %add3A_603 : vector<16xi32>
        tpu.vector_store_idx %arg9[%add3A_7, %and3A_2, %add3A_604], %get3A_545 : memref<8x8x129xf32, #tpu.memory_space<vmem>>[vector<16xi32>, vector<16xi32>, vector<16xi32>], vector<16xf32>,
        %add3A_605 = vector.broadcast %add3A_542 : i32 to vector<16xi32>
        %add3A_606 = arith.addi %and3A_19, %add3A_605 : vector<16xi32>
        tpu.vector_store_idx %arg9[%add3A_10, %and3A_2, %add3A_606], %get3A_548 : memref<8x8x129xf32, #tpu.memory_space<vmem>>[vector<16xi32>, vector<16xi32>, vector<16xi32>], vector<16xf32>,
        %add3A_607 = vector.broadcast %add3A_542 : i32 to vector<16xi32>
        %add3A_608 = arith.addi %and3A_19, %add3A_607 : vector<16xi32>
        tpu.vector_store_idx %arg9[%add3A_13, %and3A_2, %add3A_608], %get3A_551 : memref<8x8x129xf32, #tpu.memory_space<vmem>>[vector<16xi32>, vector<16xi32>, vector<16xi32>], vector<16xf32>,
        %add3A_609 = vector.broadcast %add3A_542 : i32 to vector<16xi32>
        %add3A_610 = arith.addi %and3A_19, %add3A_609 : vector<16xi32>
        tpu.vector_store_idx %arg9[%add3A_16, %and3A_2, %add3A_610], %get3A_554 : memref<8x8x129xf32, #tpu.memory_space<vmem>>[vector<16xi32>, vector<16xi32>, vector<16xi32>], vector<16xf32>,
        %add3A_611 = vector.broadcast %add3A_558 : i32 to vector<16xi32>
        %add3A_612 = arith.addi %and3A_19, %add3A_611 : vector<16xi32>
        tpu.vector_store_idx %arg9[%add3A_7, %and3A_2, %add3A_612], %get3A_561 : memref<8x8x129xf32, #tpu.memory_space<vmem>>[vector<16xi32>, vector<16xi32>, vector<16xi32>], vector<16xf32>,
        %add3A_613 = vector.broadcast %add3A_558 : i32 to vector<16xi32>
        %add3A_614 = arith.addi %and3A_19, %add3A_613 : vector<16xi32>
        tpu.vector_store_idx %arg9[%add3A_10, %and3A_2, %add3A_614], %get3A_564 : memref<8x8x129xf32, #tpu.memory_space<vmem>>[vector<16xi32>, vector<16xi32>, vector<16xi32>], vector<16xf32>,
        %add3A_615 = vector.broadcast %add3A_558 : i32 to vector<16xi32>
        %add3A_616 = arith.addi %and3A_19, %add3A_615 : vector<16xi32>
        tpu.vector_store_idx %arg9[%add3A_13, %and3A_2, %add3A_616], %get3A_567 : memref<8x8x129xf32, #tpu.memory_space<vmem>>[vector<16xi32>, vector<16xi32>, vector<16xi32>], vector<16xf32>,
        %add3A_617 = vector.broadcast %add3A_558 : i32 to vector<16xi32>
        %add3A_618 = arith.addi %and3A_19, %add3A_617 : vector<16xi32>
        tpu.vector_store_idx %arg9[%add3A_16, %and3A_2, %add3A_618], %get3A_570 : memref<8x8x129xf32, #tpu.memory_space<vmem>>[vector<16xi32>, vector<16xi32>, vector<16xi32>], vector<16xf32>,
        %add3A_619 = vector.broadcast %add3A_574 : i32 to vector<16xi32>
        %add3A_620 = arith.addi %and3A_19, %add3A_619 : vector<16xi32>
        tpu.vector_store_idx %arg9[%add3A_7, %and3A_2, %add3A_620], %get3A_577 : memref<8x8x129xf32, #tpu.memory_space<vmem>>[vector<16xi32>, vector<16xi32>, vector<16xi32>], vector<16xf32>,
        %add3A_621 = vector.broadcast %add3A_574 : i32 to vector<16xi32>
        %add3A_622 = arith.addi %and3A_19, %add3A_621 : vector<16xi32>
        tpu.vector_store_idx %arg9[%add3A_10, %and3A_2, %add3A_622], %get3A_580 : memref<8x8x129xf32, #tpu.memory_space<vmem>>[vector<16xi32>, vector<16xi32>, vector<16xi32>], vector<16xf32>,
        %add3A_623 = vector.broadcast %add3A_574 : i32 to vector<16xi32>
        %add3A_624 = arith.addi %and3A_19, %add3A_623 : vector<16xi32>
        tpu.vector_store_idx %arg9[%add3A_13, %and3A_2, %add3A_624], %get3A_583 : memref<8x8x129xf32, #tpu.memory_space<vmem>>[vector<16xi32>, vector<16xi32>, vector<16xi32>], vector<16xf32>,
        %add3A_625 = vector.broadcast %add3A_574 : i32 to vector<16xi32>
        %add3A_626 = arith.addi %and3A_19, %add3A_625 : vector<16xi32>
        tpu.vector_store_idx %arg9[%add3A_16, %and3A_2, %add3A_626], %get3A_586 : memref<8x8x129xf32, #tpu.memory_space<vmem>>[vector<16xi32>, vector<16xi32>, vector<16xi32>], vector<16xf32>,
        %add3A_627 = vector.broadcast %add3A_590 : i32 to vector<16xi32>
        %add3A_628 = arith.addi %and3A_19, %add3A_627 : vector<16xi32>
        tpu.vector_store_idx %arg9[%add3A_7, %and3A_2, %add3A_628], %get3A_593 : memref<8x8x129xf32, #tpu.memory_space<vmem>>[vector<16xi32>, vector<16xi32>, vector<16xi32>], vector<16xf32>,
        %add3A_629 = vector.broadcast %add3A_590 : i32 to vector<16xi32>
        %add3A_630 = arith.addi %and3A_19, %add3A_629 : vector<16xi32>
        tpu.vector_store_idx %arg9[%add3A_10, %and3A_2, %add3A_630], %get3A_596 : memref<8x8x129xf32, #tpu.memory_space<vmem>>[vector<16xi32>, vector<16xi32>, vector<16xi32>], vector<16xf32>,
        %add3A_631 = vector.broadcast %add3A_590 : i32 to vector<16xi32>
        %add3A_632 = arith.addi %and3A_19, %add3A_631 : vector<16xi32>
        tpu.vector_store_idx %arg9[%add3A_13, %and3A_2, %add3A_632], %get3A_599 : memref<8x8x129xf32, #tpu.memory_space<vmem>>[vector<16xi32>, vector<16xi32>, vector<16xi32>], vector<16xf32>,
        %add3A_633 = vector.broadcast %add3A_590 : i32 to vector<16xi32>
        %add3A_634 = arith.addi %and3A_19, %add3A_633 : vector<16xi32>
        tpu.vector_store_idx %arg9[%add3A_16, %and3A_2, %add3A_634], %get3A_602 : memref<8x8x129xf32, #tpu.memory_space<vmem>>[vector<16xi32>, vector<16xi32>, vector<16xi32>], vector<16xf32>,
        %add3A_635 = arith.constant 12 : i32
        %add3A_636 = arith.addi %mul3A_347, %add3A_635 : i32
        %add3A_637 = arith.constant 0 : i32
        %add3A_638 = arith.addi %add3A_636, %add3A_637 : i32
        %get3A_639 = arith.index_cast %add3A_638 : i32 to index
        %get3A_640 = arith.constant 0 : index
        %get3A_641 = tpu.vector_load %arg7[%get3A_639, %get3A_640] {strides = array<i32>} : memref<128x64xf32, #tpu.memory_space<vmem>>, vector<16xf32>,
        %get3A_642 = arith.index_cast %add3A_638 : i32 to index
        %get3A_643 = arith.constant 16 : index
        %get3A_644 = tpu.vector_load %arg7[%get3A_642, %get3A_643] {strides = array<i32>} : memref<128x64xf32, #tpu.memory_space<vmem>>, vector<16xf32>,
        %get3A_645 = arith.index_cast %add3A_638 : i32 to index
        %get3A_646 = arith.constant 32 : index
        %get3A_647 = tpu.vector_load %arg7[%get3A_645, %get3A_646] {strides = array<i32>} : memref<128x64xf32, #tpu.memory_space<vmem>>, vector<16xf32>,
        %get3A_648 = arith.index_cast %add3A_638 : i32 to index
        %get3A_649 = arith.constant 48 : index
        %get3A_650 = tpu.vector_load %arg7[%get3A_648, %get3A_649] {strides = array<i32>} : memref<128x64xf32, #tpu.memory_space<vmem>>, vector<16xf32>,
        %add3A_651 = arith.constant 12 : i32
        %add3A_652 = arith.addi %mul3A_347, %add3A_651 : i32
        %add3A_653 = arith.constant 1 : i32
        %add3A_654 = arith.addi %add3A_652, %add3A_653 : i32
        %get3A_655 = arith.index_cast %add3A_654 : i32 to index
        %get3A_656 = arith.constant 0 : index
        %get3A_657 = tpu.vector_load %arg7[%get3A_655, %get3A_656] {strides = array<i32>} : memref<128x64xf32, #tpu.memory_space<vmem>>, vector<16xf32>,
        %get3A_658 = arith.index_cast %add3A_654 : i32 to index
        %get3A_659 = arith.constant 16 : index
        %get3A_660 = tpu.vector_load %arg7[%get3A_658, %get3A_659] {strides = array<i32>} : memref<128x64xf32, #tpu.memory_space<vmem>>, vector<16xf32>,
        %get3A_661 = arith.index_cast %add3A_654 : i32 to index
        %get3A_662 = arith.constant 32 : index
        %get3A_663 = tpu.vector_load %arg7[%get3A_661, %get3A_662] {strides = array<i32>} : memref<128x64xf32, #tpu.memory_space<vmem>>, vector<16xf32>,
        %get3A_664 = arith.index_cast %add3A_654 : i32 to index
        %get3A_665 = arith.constant 48 : index
        %get3A_666 = tpu.vector_load %arg7[%get3A_664, %get3A_665] {strides = array<i32>} : memref<128x64xf32, #tpu.memory_space<vmem>>, vector<16xf32>,
        %add3A_667 = arith.constant 12 : i32
        %add3A_668 = arith.addi %mul3A_347, %add3A_667 : i32
        %add3A_669 = arith.constant 2 : i32
        %add3A_670 = arith.addi %add3A_668, %add3A_669 : i32
        %get3A_671 = arith.index_cast %add3A_670 : i32 to index
        %get3A_672 = arith.constant 0 : index
        %get3A_673 = tpu.vector_load %arg7[%get3A_671, %get3A_672] {strides = array<i32>} : memref<128x64xf32, #tpu.memory_space<vmem>>, vector<16xf32>,
        %get3A_674 = arith.index_cast %add3A_670 : i32 to index
        %get3A_675 = arith.constant 16 : index
        %get3A_676 = tpu.vector_load %arg7[%get3A_674, %get3A_675] {strides = array<i32>} : memref<128x64xf32, #tpu.memory_space<vmem>>, vector<16xf32>,
        %get3A_677 = arith.index_cast %add3A_670 : i32 to index
        %get3A_678 = arith.constant 32 : index
        %get3A_679 = tpu.vector_load %arg7[%get3A_677, %get3A_678] {strides = array<i32>} : memref<128x64xf32, #tpu.memory_space<vmem>>, vector<16xf32>,
        %get3A_680 = arith.index_cast %add3A_670 : i32 to index
        %get3A_681 = arith.constant 48 : index
        %get3A_682 = tpu.vector_load %arg7[%get3A_680, %get3A_681] {strides = array<i32>} : memref<128x64xf32, #tpu.memory_space<vmem>>, vector<16xf32>,
        %add3A_683 = arith.constant 12 : i32
        %add3A_684 = arith.addi %mul3A_347, %add3A_683 : i32
        %add3A_685 = arith.constant 3 : i32
        %add3A_686 = arith.addi %add3A_684, %add3A_685 : i32
        %get3A_687 = arith.index_cast %add3A_686 : i32 to index
        %get3A_688 = arith.constant 0 : index
        %get3A_689 = tpu.vector_load %arg7[%get3A_687, %get3A_688] {strides = array<i32>} : memref<128x64xf32, #tpu.memory_space<vmem>>, vector<16xf32>,
        %get3A_690 = arith.index_cast %add3A_686 : i32 to index
        %get3A_691 = arith.constant 16 : index
        %get3A_692 = tpu.vector_load %arg7[%get3A_690, %get3A_691] {strides = array<i32>} : memref<128x64xf32, #tpu.memory_space<vmem>>, vector<16xf32>,
        %get3A_693 = arith.index_cast %add3A_686 : i32 to index
        %get3A_694 = arith.constant 32 : index
        %get3A_695 = tpu.vector_load %arg7[%get3A_693, %get3A_694] {strides = array<i32>} : memref<128x64xf32, #tpu.memory_space<vmem>>, vector<16xf32>,
        %get3A_696 = arith.index_cast %add3A_686 : i32 to index
        %get3A_697 = arith.constant 48 : index
        %get3A_698 = tpu.vector_load %arg7[%get3A_696, %get3A_697] {strides = array<i32>} : memref<128x64xf32, #tpu.memory_space<vmem>>, vector<16xf32>,
        %add3A_699 = vector.broadcast %add3A_638 : i32 to vector<16xi32>
        %add3A_700 = arith.addi %and3A_19, %add3A_699 : vector<16xi32>
        tpu.vector_store_idx %arg9[%add3A_7, %and3A_2, %add3A_700], %get3A_641 : memref<8x8x129xf32, #tpu.memory_space<vmem>>[vector<16xi32>, vector<16xi32>, vector<16xi32>], vector<16xf32>,
        %add3A_701 = vector.broadcast %add3A_638 : i32 to vector<16xi32>
        %add3A_702 = arith.addi %and3A_19, %add3A_701 : vector<16xi32>
        tpu.vector_store_idx %arg9[%add3A_10, %and3A_2, %add3A_702], %get3A_644 : memref<8x8x129xf32, #tpu.memory_space<vmem>>[vector<16xi32>, vector<16xi32>, vector<16xi32>], vector<16xf32>,
        %add3A_703 = vector.broadcast %add3A_638 : i32 to vector<16xi32>
        %add3A_704 = arith.addi %and3A_19, %add3A_703 : vector<16xi32>
        tpu.vector_store_idx %arg9[%add3A_13, %and3A_2, %add3A_704], %get3A_647 : memref<8x8x129xf32, #tpu.memory_space<vmem>>[vector<16xi32>, vector<16xi32>, vector<16xi32>], vector<16xf32>,
        %add3A_705 = vector.broadcast %add3A_638 : i32 to vector<16xi32>
        %add3A_706 = arith.addi %and3A_19, %add3A_705 : vector<16xi32>
        tpu.vector_store_idx %arg9[%add3A_16, %and3A_2, %add3A_706], %get3A_650 : memref<8x8x129xf32, #tpu.memory_space<vmem>>[vector<16xi32>, vector<16xi32>, vector<16xi32>], vector<16xf32>,
        %add3A_707 = vector.broadcast %add3A_654 : i32 to vector<16xi32>
        %add3A_708 = arith.addi %and3A_19, %add3A_707 : vector<16xi32>
        tpu.vector_store_idx %arg9[%add3A_7, %and3A_2, %add3A_708], %get3A_657 : memref<8x8x129xf32, #tpu.memory_space<vmem>>[vector<16xi32>, vector<16xi32>, vector<16xi32>], vector<16xf32>,
        %add3A_709 = vector.broadcast %add3A_654 : i32 to vector<16xi32>
        %add3A_710 = arith.addi %and3A_19, %add3A_709 : vector<16xi32>
        tpu.vector_store_idx %arg9[%add3A_10, %and3A_2, %add3A_710], %get3A_660 : memref<8x8x129xf32, #tpu.memory_space<vmem>>[vector<16xi32>, vector<16xi32>, vector<16xi32>], vector<16xf32>,
        %add3A_711 = vector.broadcast %add3A_654 : i32 to vector<16xi32>
        %add3A_712 = arith.addi %and3A_19, %add3A_711 : vector<16xi32>
        tpu.vector_store_idx %arg9[%add3A_13, %and3A_2, %add3A_712], %get3A_663 : memref<8x8x129xf32, #tpu.memory_space<vmem>>[vector<16xi32>, vector<16xi32>, vector<16xi32>], vector<16xf32>,
        %add3A_713 = vector.broadcast %add3A_654 : i32 to vector<16xi32>
        %add3A_714 = arith.addi %and3A_19, %add3A_713 : vector<16xi32>
        tpu.vector_store_idx %arg9[%add3A_16, %and3A_2, %add3A_714], %get3A_666 : memref<8x8x129xf32, #tpu.memory_space<vmem>>[vector<16xi32>, vector<16xi32>, vector<16xi32>], vector<16xf32>,
        %add3A_715 = vector.broadcast %add3A_670 : i32 to vector<16xi32>
        %add3A_716 = arith.addi %and3A_19, %add3A_715 : vector<16xi32>
        tpu.vector_store_idx %arg9[%add3A_7, %and3A_2, %add3A_716], %get3A_673 : memref<8x8x129xf32, #tpu.memory_space<vmem>>[vector<16xi32>, vector<16xi32>, vector<16xi32>], vector<16xf32>,
        %add3A_717 = vector.broadcast %add3A_670 : i32 to vector<16xi32>
        %add3A_718 = arith.addi %and3A_19, %add3A_717 : vector<16xi32>
        tpu.vector_store_idx %arg9[%add3A_10, %and3A_2, %add3A_718], %get3A_676 : memref<8x8x129xf32, #tpu.memory_space<vmem>>[vector<16xi32>, vector<16xi32>, vector<16xi32>], vector<16xf32>,
        %add3A_719 = vector.broadcast %add3A_670 : i32 to vector<16xi32>
        %add3A_720 = arith.addi %and3A_19, %add3A_719 : vector<16xi32>
        tpu.vector_store_idx %arg9[%add3A_13, %and3A_2, %add3A_720], %get3A_679 : memref<8x8x129xf32, #tpu.memory_space<vmem>>[vector<16xi32>, vector<16xi32>, vector<16xi32>], vector<16xf32>,
        %add3A_721 = vector.broadcast %add3A_670 : i32 to vector<16xi32>
        %add3A_722 = arith.addi %and3A_19, %add3A_721 : vector<16xi32>
        tpu.vector_store_idx %arg9[%add3A_16, %and3A_2, %add3A_722], %get3A_682 : memref<8x8x129xf32, #tpu.memory_space<vmem>>[vector<16xi32>, vector<16xi32>, vector<16xi32>], vector<16xf32>,
        %add3A_723 = vector.broadcast %add3A_686 : i32 to vector<16xi32>
        %add3A_724 = arith.addi %and3A_19, %add3A_723 : vector<16xi32>
        tpu.vector_store_idx %arg9[%add3A_7, %and3A_2, %add3A_724], %get3A_689 : memref<8x8x129xf32, #tpu.memory_space<vmem>>[vector<16xi32>, vector<16xi32>, vector<16xi32>], vector<16xf32>,
        %add3A_725 = vector.broadcast %add3A_686 : i32 to vector<16xi32>
        %add3A_726 = arith.addi %and3A_19, %add3A_725 : vector<16xi32>
        tpu.vector_store_idx %arg9[%add3A_10, %and3A_2, %add3A_726], %get3A_692 : memref<8x8x129xf32, #tpu.memory_space<vmem>>[vector<16xi32>, vector<16xi32>, vector<16xi32>], vector<16xf32>,
        %add3A_727 = vector.broadcast %add3A_686 : i32 to vector<16xi32>
        %add3A_728 = arith.addi %and3A_19, %add3A_727 : vector<16xi32>
        tpu.vector_store_idx %arg9[%add3A_13, %and3A_2, %add3A_728], %get3A_695 : memref<8x8x129xf32, #tpu.memory_space<vmem>>[vector<16xi32>, vector<16xi32>, vector<16xi32>], vector<16xf32>,
        %add3A_729 = vector.broadcast %add3A_686 : i32 to vector<16xi32>
        %add3A_730 = arith.addi %and3A_19, %add3A_729 : vector<16xi32>
        tpu.vector_store_idx %arg9[%add3A_16, %and3A_2, %add3A_730], %get3A_698 : memref<8x8x129xf32, #tpu.memory_space<vmem>>[vector<16xi32>, vector<16xi32>, vector<16xi32>], vector<16xf32>,
      }
      %scan3A_286 = arith.constant 8 : i32
      %jit3A_287 = arith.constant 4 : i32
      %div3A_288 = arith.divsi %add3A_75, %jit3A_287 : i32
      %sign3A_289 = arith.constant 0 : i32
      %sign3A_290 = arith.cmpi sgt, %add3A_75, %sign3A_289 : i32
      %sign3A_291 = arith.extui %sign3A_290 : i1 to i32
      %sign3A_292 = arith.constant 0 : i32
      %sign3A_293 = arith.cmpi slt, %add3A_75, %sign3A_292 : i32
      %sign3A_294 = arith.extui %sign3A_293 : i1 to i32
      %sign3A_295 = arith.subi %sign3A_291, %sign3A_294 : i32
      %sign3A_296 = arith.constant 0 : i32
      %sign3A_297 = arith.cmpi sgt, %jit3A_287, %sign3A_296 : i32
      %sign3A_298 = arith.extui %sign3A_297 : i1 to i32
      %sign3A_299 = arith.constant 0 : i32
      %sign3A_300 = arith.cmpi slt, %jit3A_287, %sign3A_299 : i32
      %sign3A_301 = arith.extui %sign3A_300 : i1 to i32
      %sign3A_302 = arith.subi %sign3A_298, %sign3A_301 : i32
      %ne3A_303 = arith.cmpi ne, %sign3A_295, %sign3A_302 : i32
      %rem3A_304 = arith.remsi %add3A_75, %jit3A_287 : i32
      %ne3A_305 = arith.constant 0 : i32
      %ne3A_306 = arith.cmpi ne, %rem3A_304, %ne3A_305 : i32
      %and3A_307 = arith.andi %ne3A_303, %ne3A_306 : i1
      %sub3A_308 = arith.constant 1 : i32
      %sub3A_309 = arith.subi %div3A_288, %sub3A_308 : i32
      %select_n3A_310 = arith.select %and3A_307, %sub3A_309, %div3A_288 : i32
      %jit3A_311 = arith.constant 4 : i32
      %eq3A_312 = arith.constant 0 : i32
      %eq3A_313 = arith.cmpi eq, %jit3A_311, %eq3A_312 : i32
      %jit3A_314 = arith.constant 1 : i32
      %select_n3A_315 = arith.select %eq3A_313, %jit3A_314, %jit3A_311 : i32
      %rem3A_316 = arith.remsi %add3A_75, %select_n3A_315 : i32
      %ne3A_317 = arith.constant 0 : i32
      %ne3A_318 = arith.cmpi ne, %rem3A_316, %ne3A_317 : i32
      %lt3A_319 = arith.constant 0 : i32
      %lt3A_320 = arith.cmpi slt, %rem3A_316, %lt3A_319 : i32
      %lt3A_321 = arith.constant 0 : i32
      %lt3A_322 = arith.cmpi slt, %select_n3A_315, %lt3A_321 : i32
      %ne3A_323 = arith.xori %lt3A_320, %lt3A_322 : i1
      %and3A_324 = arith.andi %ne3A_323, %ne3A_318 : i1
      %add3A_325 = arith.addi %rem3A_316, %select_n3A_315 : i32
      %select_n3A_326 = arith.select %and3A_324, %add3A_325, %rem3A_316 : i32
      %dma_start3A_327 = arith.constant 0 : i32
      %dma_start3A_328 = arith.constant 0 : i32
      %dma_start3A_329 = arith.constant 0 : i32
      %dma_start3A_330 = tpu.memref_slice %arg9[%dma_start3A_327, %dma_start3A_328, %dma_start3A_329] : memref<8x8x129xf32, #tpu.memory_space<vmem>> -> memref<8x8x128xf32, #tpu.memory_space<vmem>>
      %dma_start3A_331 = arith.constant 0 : i32
      %dma_start3A_332 = arith.constant 0 : i32
      %dma_start3A_333 = arith.constant 0 : i32
      %dma_start3A_334 = tpu.memref_slice %arg4[%add3A, %select_n3A_326, %dma_start3A_331, %select_n3A_310, %dma_start3A_332, %dma_start3A_333] : memref<32x4x8x16x8x128xf32, #tpu.memory_space<hbm>> -> memref<1x1x8x1x8x128xf32, #tpu.memory_space<hbm>>
      %dma_start3A_335 = tpu.memref_squeeze %dma_start3A_334 : memref<1x1x8x1x8x128xf32, #tpu.memory_space<hbm>> -> memref<8x8x128xf32, #tpu.memory_space<hbm>>
      %dma_start3A_336 = arith.constant 0 : i32
      %dma_start3A_337 = arith.constant 0 : i32
      %dma_start3A_338 = arith.constant 0 : i32
      %dma_start3A_339 = tpu.memref_slice %arg4[%add3A, %select_n3A_326, %dma_start3A_336, %select_n3A_310, %dma_start3A_337, %dma_start3A_338] : memref<32x4x8x16x8x128xf32, #tpu.memory_space<hbm>> -> memref<1x1x8x1x8x128xf32, #tpu.memory_space<hbm>>
      %dma_start3A_340 = tpu.memref_squeeze %dma_start3A_339 : memref<1x1x8x1x8x128xf32, #tpu.memory_space<hbm>> -> memref<8x8x128xf32, #tpu.memory_space<hbm>>
      %dma_start3A_341 = arith.constant 0 : i32
      %dma_start3A_342 = arith.constant 0 : i32
      %dma_start3A_343 = arith.constant 0 : i32
      %dma_start3A_344 = tpu.memref_slice %arg9[%dma_start3A_341, %dma_start3A_342, %dma_start3A_343] : memref<8x8x129xf32, #tpu.memory_space<vmem>> -> memref<8x8x128xf32, #tpu.memory_space<vmem>>
      tpu.enqueue_dma source(%dma_start3A_344 : memref<8x8x128xf32, #tpu.memory_space<vmem>>) target(%dma_start3A_340 : memref<8x8x128xf32, #tpu.memory_space<hbm>>) target_semaphore(%arg13 : memref<!tpu.dma_semaphore, #tpu.memory_space<semaphore_mem>>)
    }
    %scan3A_31 = arith.constant 32 : i32
    %dma_wait3A = arith.constant 2 : i32
    %dma_wait3A_32 = arith.constant 15 : i32
    %dma_wait3A_33 = arith.constant 0 : i32
    %dma_wait3A_34 = arith.constant 0 : i32
    %dma_wait3A_35 = arith.constant 0 : i32
    %dma_wait3A_36 = tpu.memref_slice %arg8[%dma_wait3A_33, %dma_wait3A_34, %dma_wait3A_35] : memref<8x8x129xf32, #tpu.memory_space<vmem>> -> memref<8x8x128xf32, #tpu.memory_space<vmem>>
    %dma_wait3A_37 = arith.constant 0 : i32
    %dma_wait3A_38 = arith.constant 0 : i32
    %dma_wait3A_39 = arith.constant 0 : i32
    %dma_wait3A_40 = tpu.memref_slice %arg4[%add3A, %dma_wait3A, %dma_wait3A_37, %dma_wait3A_32, %dma_wait3A_38, %dma_wait3A_39] : memref<32x4x8x16x8x128xf32, #tpu.memory_space<hbm>> -> memref<1x1x8x1x8x128xf32, #tpu.memory_space<hbm>>
    %dma_wait3A_41 = tpu.memref_squeeze %dma_wait3A_40 : memref<1x1x8x1x8x128xf32, #tpu.memory_space<hbm>> -> memref<8x8x128xf32, #tpu.memory_space<hbm>>
    %dma_wait3A_42 = arith.constant 0 : i32
    %dma_wait3A_43 = arith.constant 0 : i32
    %dma_wait3A_44 = arith.constant 0 : i32
    %dma_wait3A_45 = tpu.memref_slice %arg4[%add3A, %dma_wait3A, %dma_wait3A_42, %dma_wait3A_32, %dma_wait3A_43, %dma_wait3A_44] : memref<32x4x8x16x8x128xf32, #tpu.memory_space<hbm>> -> memref<1x1x8x1x8x128xf32, #tpu.memory_space<hbm>>
    %dma_wait3A_46 = tpu.memref_squeeze %dma_wait3A_45 : memref<1x1x8x1x8x128xf32, #tpu.memory_space<hbm>> -> memref<8x8x128xf32, #tpu.memory_space<hbm>>
    %dma_wait3A_47 = arith.constant 0 : i32
    %dma_wait3A_48 = arith.constant 0 : i32
    %dma_wait3A_49 = arith.constant 0 : i32
    %dma_wait3A_50 = tpu.memref_slice %arg8[%dma_wait3A_47, %dma_wait3A_48, %dma_wait3A_49] : memref<8x8x129xf32, #tpu.memory_space<vmem>> -> memref<8x8x128xf32, #tpu.memory_space<vmem>>
    tpu.wait_dma2 semaphore(%arg12 : memref<!tpu.dma_semaphore, #tpu.memory_space<semaphore_mem>>) src(%dma_wait3A_50 : memref<8x8x128xf32, #tpu.memory_space<vmem>>) dst(%dma_wait3A_46 : memref<8x8x128xf32, #tpu.memory_space<hbm>>)
    %dma_wait3A_51 = arith.constant 3 : i32
    %dma_wait3A_52 = arith.constant 15 : i32
    %dma_wait3A_53 = arith.constant 0 : i32
    %dma_wait3A_54 = arith.constant 0 : i32
    %dma_wait3A_55 = arith.constant 0 : i32
    %dma_wait3A_56 = tpu.memref_slice %arg9[%dma_wait3A_53, %dma_wait3A_54, %dma_wait3A_55] : memref<8x8x129xf32, #tpu.memory_space<vmem>> -> memref<8x8x128xf32, #tpu.memory_space<vmem>>
    %dma_wait3A_57 = arith.constant 0 : i32
    %dma_wait3A_58 = arith.constant 0 : i32
    %dma_wait3A_59 = arith.constant 0 : i32
    %dma_wait3A_60 = tpu.memref_slice %arg4[%add3A, %dma_wait3A_51, %dma_wait3A_57, %dma_wait3A_52, %dma_wait3A_58, %dma_wait3A_59] : memref<32x4x8x16x8x128xf32, #tpu.memory_space<hbm>> -> memref<1x1x8x1x8x128xf32, #tpu.memory_space<hbm>>
    %dma_wait3A_61 = tpu.memref_squeeze %dma_wait3A_60 : memref<1x1x8x1x8x128xf32, #tpu.memory_space<hbm>> -> memref<8x8x128xf32, #tpu.memory_space<hbm>>
    %dma_wait3A_62 = arith.constant 0 : i32
    %dma_wait3A_63 = arith.constant 0 : i32
    %dma_wait3A_64 = arith.constant 0 : i32
    %dma_wait3A_65 = tpu.memref_slice %arg4[%add3A, %dma_wait3A_51, %dma_wait3A_62, %dma_wait3A_52, %dma_wait3A_63, %dma_wait3A_64] : memref<32x4x8x16x8x128xf32, #tpu.memory_space<hbm>> -> memref<1x1x8x1x8x128xf32, #tpu.memory_space<hbm>>
    %dma_wait3A_66 = tpu.memref_squeeze %dma_wait3A_65 : memref<1x1x8x1x8x128xf32, #tpu.memory_space<hbm>> -> memref<8x8x128xf32, #tpu.memory_space<hbm>>
    %dma_wait3A_67 = arith.constant 0 : i32
    %dma_wait3A_68 = arith.constant 0 : i32
    %dma_wait3A_69 = arith.constant 0 : i32
    %dma_wait3A_70 = tpu.memref_slice %arg9[%dma_wait3A_67, %dma_wait3A_68, %dma_wait3A_69] : memref<8x8x129xf32, #tpu.memory_space<vmem>> -> memref<8x8x128xf32, #tpu.memory_space<vmem>>
    tpu.wait_dma2 semaphore(%arg13 : memref<!tpu.dma_semaphore, #tpu.memory_space<semaphore_mem>>) src(%dma_wait3A_70 : memref<8x8x128xf32, #tpu.memory_space<vmem>>) dst(%dma_wait3A_66 : memref<8x8x128xf32, #tpu.memory_space<hbm>>)
    return
  }
}

</mosaic_0001>

<sc_bundles>
// kernel: kernel.3.cloned.1.call-start
scs
__scs_entry_jumppad:
0x0: {  	(pc) =	sbr.rel $0x88, $3  }
0x1: {  	(tag) =	ssettag $0x0;
	lr =	simm.s32 $0x1  }
0x2: {  	[smem:$0x3F9E] =	sst lr;
	_ =	strace $0xD0000000  }
0x3: {  	_ = 	snop  }
0x4: {  	_ = 	snop  }
0x5: {  	_ = 	snop  }
0x6: {  	_ = 	snop  }
0x7: {  	_ = 	snop  }
__scs_overlays_trampoline_lowered:
0x8: {  	[smem:$0x3FAD] =	sst s0  }
0x9: {  	[smem:$0x3FAE] =	sst s1  }
0xa: {  	[smem:$0x3FAF] =	sst s2  }
0xb: {  	[smem:$0x3FB0] =	sst s3  }
0xc: {  	[smem:$0x3FB1] =	sst s4  }
0xd: {  	[smem:$0x3FB2] =	sst s5  }
0xe: {  	[smem:$0x3FB3] =	sst s6  }
0xf: {  	[smem:$0x3FB4] =	sst s7  }
0x10: {  	[smem:$0x3FB5] =	sst s8  }
0x11: {  	[smem:$0x3FB6] =	sst s9;
	s0 =	simm.s32 @!p0 $0x0  }
0x12: {  	s1 =	sld [smem:$0x3F9C];
	s0 =	simm.s32 @p0 $0x1  }
0x13: {  	[smem:$0x3FB7] =	sst s0;
	s0 =	simm.s32 @!p1 $0x0  }
0x14: {  	s2 =	sld [smem:$0x3F9B];
	s0 =	simm.s32 @p1 $0x1  }
0x15: {  	[smem:$0x3FB8] =	sst s0;
	s0 =	simm.s32 @!p2 $0x0  }
0x16: {  	s3 =	sld [smem:$0x3FDB];
	s0 =	simm.s32 @p2 $0x1  }
0x17: {  	s4 =	simm.s32 $0x1BF5;
	[smem:$0x3FBA] =	sst s0  }
0x18: {  	s0 =	sld [smem:$0x3F9D];
	_ =	swait.ge [sflag:s4], $0x0  }
0x19: {  	s7 =	sld [smem:$0x3F9E]  }
0x1a: {  	s8 =	sadd.s32 $0xFFFFE003, lr  }
0x1b: {  	s9 =	sadd.s32 $0xFFFFFEF7, lr;
	s5 =	simm.s32 $0xFFFFFFFF;
	p2 =	slt.u32 s8, $0xFFFFF086  }
0x1c: {  	p1 =	slt.u32 s9, $0xF7A;
	s5 =	simm.s32 @!p2 $0x0  }
0x1d: {  	s5 =	simm.s32 @p1 $0x1;
	p0 =	seq.s32 s7, s2  }
0x1e: {  	s7 =	smul.u32 @!p0 $0xF7A, s2;
	p2 =	seq.s32 @!p0 s5, $0x0  }
0x1f: {  	s9 =	smul.u32 $0xF7A, s1;
	s8 =	simm.s32 @!p0 $0x1BF5;
	p2 =	por !p2, p0  }
0x20: {  	[sflag:s8] =	ssyncset.s32 @!p0 $0xFFFFF086;
	s6 =	sadd.s32 @!p0 s3, s7;
	s7 =	simm.s32 @!p0 $0x108  }
0x21: {  	s3 =	sadd.s32 s3, s9;
	s6 =	sadd.s32 @!p0 $0x88, s6;
	s7 =	simm.s32 @p2 $0x1082  }
0x22: {  	[simem:s7], [sflag:s8] =	dma.local @!p0 [hbm:s6], $0xF7A  }
0x23: {  	s9 =	sor.u32 $0xD0000000, s2;
	s6 =	simm.s32 $0x108;
	_ =	swait.ge @!p0 [sflag:s8], $0x0  }
0x24: {  	s3 =	sadd.s32 $0x88, s3;
	s6 =	simm.s32 @!p1 $0x1082;
	[sflag:s4] =	ssyncset.s32 $0xFFFFF086  }
0x25: {  	[simem:s6], [sflag:s4] =	dma.local [hbm:s3], $0xF7A  }
0x26: {  	[smem:$0x3F9E] =	sst s1;
	(tag) =	ssettag s2;
	_ =	strace s9  }
0x27: {  	s1 =	sld [smem:$0x3FAE]  }
0x28: {  	s2 =	sld [smem:$0x3FAF]  }
0x29: {  	s4 =	sld [smem:$0x3FB1]  }
0x2a: {  	p0 =	seq.s32 s5, $0x0;
	s5 =	sld [smem:$0x3FB2]  }
0x2b: {  	s6 =	sld [smem:$0x3FB3]  }
0x2c: {  	s7 =	sld [smem:$0x3FB4]  }
0x2d: {  	s3 =	simm.s32 $0x108;
	s8 =	sld [smem:$0x3FB5]  }
0x2e: {  	s3 =	simm.s32 @!p0 $0x1082;
	s9 =	sld [smem:$0x3FB6]  }
0x2f: {  	lr =	sadd.s32 s0, s3;
	s0 =	sld [smem:$0x3FAD]  }
0x30: {  	s3 =	sld [smem:$0x3FB0]  }
0x31: {  	[smem:$0x3FB9] =	sst s10  }
0x32: {  	s10 =	sld [smem:$0x3FB7];
	_ =	sdelay $0x3  }
0x33: {  	p0 =	seq.s32 s10, $0x1;
	s10 =	sld [smem:$0x3FB9];
	_ =	sdelay $0x3  }
0x34: {  	[smem:$0x3FB9] =	sst s10  }
0x35: {  	s10 =	sld [smem:$0x3FB8];
	_ =	sdelay $0x3  }
0x36: {  	p1 =	seq.s32 s10, $0x1;
	s10 =	sld [smem:$0x3FB9];
	_ =	sdelay $0x3  }
0x37: {  	[smem:$0x3FB9] =	sst s10  }
0x38: {  	s10 =	sld [smem:$0x3FBA]  }
0x39: {  	_ = 	snop;
	(pc) =	sbr.ind lr, $3  }
0x3a: {  	_ = 	snop  }
0x3b: {  	_ = 	snop  }
0x3c: {  	p2 =	seq.s32 s10, $0x1;
	s10 =	sld [smem:$0x3FB9]  }
0x3d: {  	_ =	shalt  }
0x3e: {  	_ =	shalt  }
0x3f: {  	_ =	shalt  }
0x40: {  	_ =	shalt  }
0x41: {  	_ =	shalt  }
0x42: {  	_ =	shalt  }
0x43: {  	_ =	shalt  }
0x44: {  	_ =	shalt  }
0x45: {  	_ =	shalt  }
0x46: {  	_ =	shalt  }
0x47: {  	_ =	shalt  }
0x48: {  	_ =	shalt  }
0x49: {  	_ =	shalt  }
0x4a: {  	_ =	shalt  }
0x4b: {  	_ =	shalt  }
0x4c: {  	_ =	shalt  }
0x4d: {  	_ =	shalt  }
0x4e: {  	_ =	shalt  }
0x4f: {  	_ =	shalt  }
0x50: {  	_ =	shalt  }
0x51: {  	_ =	shalt  }
0x52: {  	_ =	shalt  }
0x53: {  	_ =	shalt  }
0x54: {  	_ =	shalt  }
0x55: {  	_ =	shalt  }
0x56: {  	_ =	shalt  }
0x57: {  	_ =	shalt  }
0x58: {  	_ =	shalt  }
0x59: {  	_ =	shalt  }
0x5a: {  	_ =	shalt  }
0x5b: {  	_ =	shalt  }
0x5c: {  	_ =	shalt  }
0x5d: {  	_ =	shalt  }
0x5e: {  	_ =	shalt  }
0x5f: {  	_ =	shalt  }
0x60: {  	_ =	shalt  }
0x61: {  	_ =	shalt  }
0x62: {  	_ =	shalt  }
0x63: {  	_ =	shalt  }
0x64: {  	_ =	shalt  }
0x65: {  	_ =	shalt  }
0x66: {  	_ =	shalt  }
0x67: {  	_ =	shalt  }
0x68: {  	_ =	shalt  }
0x69: {  	_ =	shalt  }
0x6a: {  	_ =	shalt  }
0x6b: {  	_ =	shalt  }
0x6c: {  	_ =	shalt  }
0x6d: {  	_ =	shalt  }
0x6e: {  	_ =	shalt  }
0x6f: {  	_ =	shalt  }
0x70: {  	_ =	shalt  }
0x71: {  	_ =	shalt  }
0x72: {  	_ =	shalt  }
0x73: {  	_ =	shalt  }
0x74: {  	_ =	shalt  }
0x75: {  	_ =	shalt  }
0x76: {  	_ =	shalt  }
0x77: {  	_ =	shalt  }
0x78: {  	_ =	shalt  }
0x79: {  	_ =	shalt  }
0x7a: {  	_ =	shalt  }
0x7b: {  	_ =	shalt  }
0x7c: {  	_ =	shalt  }
0x7d: {  	_ =	shalt  }
0x7e: {  	_ =	shalt  }
0x7f: {  	_ =	shalt  }
0x80: {  	_ =	shalt  }
0x81: {  	_ =	shalt  }
0x82: {  	_ =	shalt  }
0x83: {  	_ =	shalt  }
0x84: {  	_ =	shalt  }
0x85: {  	_ =	shalt  }
0x86: {  	_ =	shalt  }
0x87: {  	_ =	shalt  }
.Lfunc_end0:
.L_simem_size_0:
called_computation_lowered:
.L_overlay_start_0:
0x88: {  	s2 =	sld [smem:$0x3FD9]  }
0x89: {  	s3 =	sld [smem:$0x3FFE];
	_ =	sdelay $0x1  }
0x8a: {  	s1 =	srdreg.scid  }
0x8b: {  	s0 =	sand.u32 $0x1, s1  }
0x8c: {  	s17 =	sshll.u32 s0, $0xA;
	s2 =	sadd.s32 s3, s2  }
0x8d: {  	s2 =	sadd.s32 s2, s17  }
0x8e: {  	[smem:$0x3FC5] =	sst s2  }
0x8f: {  	_ = 	snop  }
0x90: {  	s2 =	sld [smem:$0x3FC9]  }
0x91: {  	s18 =	sld [smem:$0x3FD0];
	(tm) =	ssettm $0x1  }
0x92: {  	s4 =	sld [smem:$0x3FFB];
	_ =	sdelay $0x3  }
0x93: {  	_ =	strace s4  }
0x94: {  	s4 =	sld [smem:$0x3FFC];
	_ =	sdelay $0x3  }
0x95: {  	_ =	strace s4  }
0x96: {  	s4 =	sld [smem:$0x3FFD];
	_ =	sdelay $0x3  }
0x97: {  	_ =	strace s4  }
0x98: {  	_ =	strace $0x8FFFFFFF  }
0x99: {  	s19 =	sld [smem:$0x3FDB];
	_ =	sdelay $0x1  }
0x9a: {  	s5 =	simm.s32 $_scs_section_size  }
0x9b: {  	s6 =	simm.s32 $_size__tile_overlayer_lowered;
	s7 =	simm.s32 $_tile_overlayer_lowered  }
0x9c: {  	s22 =	simm.s32 $0x1BFF;
	s21 =	sshll.u32 s7, $0x1;
	s4 =	sadd.s32 s5, s19  }
0x9d: {  	s8 =	simm.s32 $0x0;
	s20 =	sshll.u32 s6, $0x1;
	s6 =	sadd.s32 s21, s4  }
0x9e: {  	[timem:s8], [sflag:s22] =	dma.local [hbm:s6], s20  }
0x9f: {  	_ =	swait.ge [sflag:s22], s20  }
0xa0: {  	s5 =	ssub.s32 $0x0, s20;
	[sflag:s22] =	ssyncset.done $0x0  }
0xa1: {  	[sflag:s22] =	ssyncadd.s32 s5;
	_ =	sdelay $0x1  }
0xa2: {  	s23 =	simm.s32 $0x1B8B  }
0xa3: {  	_ =	swait.ge [sflag:s23], $0x1  }
0xa4: {  	[sflag:s23] =	ssyncset.done $0x0  }
0xa5: {  	s25 =	simm.s32 $0x1B8E;
	s24 =	sld [smem:$0x3FFE];
	[sflag:s23] =	ssyncadd.s32 $0xFFFFFFFF  }
0xa6: {  	s26 =	simm.s32 $execute0_lowered;
	[smem:$0x3FD2] =	sst s25  }
0xa7: {  	s6 =	sshll.u32 s26, $0x1;
	_ =	strace $0x80000046;
	[dreg:$0x1] =	wrdreg $0xFFFFFFFF  }
0xa8: {  	s28 =	simm.s32 $_size_execute0_lowered;
	s4 =	sadd.s32 s4, s6;
	[dreg:$0x0] =	wrdreg $0x0  }
0xa9: {  	s6 =	sshll.u32 s28, $0x1;
	[dreg:$0x2] =	wrdreg s4  }
0xaa: {  	[dreg:$0x3] =	wrdreg s6  }
0xab: {  	[dreg:$0x4] =	wrdreg $0xC0  }
0xac: {  	_ =	task [dreg:s8], $0x5FFFF  }
0xad: {  	[dreg:$0x1] =	wrdreg $0xFFFFFFFF  }
0xae: {  	[dreg:$0x0] =	wrdreg $0x60  }
0xaf: {  	[dreg:$0x2] =	wrdreg s24  }
0xb0: {  	[dreg:$0x3] =	wrdreg s2  }
0xb1: {  	[dreg:$0x4] =	wrdreg s18  }
0xb2: {  	[dreg:$0x5] =	wrdreg $0x9  }
0xb3: {  	_ =	task.clear_ibuf [dreg:s8], $0x6FFFF;
	_ =	strace $0x90000046  }
0xb4: {  	s29 =	simm.s32 $0x9;
	_ =	strace $0x80000048  }
0xb5: {  	_ =	swait.ge [sflag:s29], $0x1  }
0xb6: {  	[sflag:s29] =	ssyncadd.s32 $0xFFFFFFFF  }
0xb7: {  	_ =	strace $0x90000048  }
0xb8: {  	_ =	sfence  }
0xb9: {  	s30 =	sld [smem:$0x0];
	_ =	sdelay $0x2  }
0xba: {  	s31 =	sshll.u32 s1, $0xD;
	s1 =	sshrl.u32 s1, $0x2  }
0xbb: {  	s3 =	sand.u32 $0x4000, s31;
	s1 =	sadd.s32 s1, s30  }
0xbc: {  	s0 =	sor.u32 s3, s0;
	s1 =	sshll.u32 s1, $0x11  }
0xbd: {  	s0 =	sor.u32 s1, s0  }
0xbe: {  	s0 =	sadd.s32 $0x8F2B, s0  }
0xbf: {  	[sflag:s0] =	ssyncadd.remote.s32 $0x1  }
0xc0: {  	_ =	sfence.sel $0xFFFF  }
0xc1: {  	[dreg:$0x0] =	wrdreg $0xFFFFFFFF;
	(pc) =	sbr.abs _section_cstart, $3  }
0xc2: {  	[dreg:$0x1] =	wrdreg $0xFFFFFFFF  }
0xc3: {  	_ =	task.clear_ibuf [dreg:s8], $0x2FFFF;
	_ =	strace $0x9FFFFFFF  }
0xc4: {  	(tm) =	ssettm $0x7FFFFFFF  }
0xc5: {  	_ =	shalt  }
tec
execute0_lowered:
.L_overlay_start_1:
0x0: {  	(tag) =	ssettag $0x1  }
0x1: {  	v0 =	vlaneseq.u32  }
0x2: {  	s4 =	rddreg [dreg:$0x0];
	v0 =	vmul.u32 $0x88, v0  }
0x3: {  	s5 =	rddreg [dreg:$0x1];
	v1 =	vimm.s32 $0x0;
	vm0 =	vcmask $0x300  }
0x4: {  	s1 =	rddreg [dreg:$0x2];
	v1 =	vsel vm0, $0x3, v1;
	v2 =	vadd.s32 $0x880, v0  }
0x5: {  	s0 =	rddreg [dreg:$0x3];
	v3 =	vadd.s32 $0x1100, v0;
	v4 =	vadd.s32 $0x1980, v0;
	v5 =	vor.u32 $0x1, v0  }
0x6: {  	s3 =	simm.s32 $0x0;
	s6 =	srdreg.scid;
	s2 =	stileid.u32;
	v6 =	vadd.s32 $0x881, v0;
	v7 =	vadd.s32 $0x1101, v0;
	v8 =	vadd.s32 $0x1981, v0  }
0x7: {  	s10 =	simm.s32 $0x2000;
	s11 =	simm.s32 $0x4000;
	s12 =	simm.s32 $0x1;
	v9 =	vor.u32 $0x2, v0;
	v10 =	vadd.s32 $0x882, v0;
	v11 =	vadd.s32 $0x1102, v0  }
0x8: {  	s13 =	simm.s32 $0x6000;
	s14 =	simm.s32 $0x2;
	s15 =	simm.s32 $0x4;
	v12 =	vadd.s32 $0x1982, v0;
	v13 =	vor.u32 $0x3, v0;
	v14 =	vadd.s32 $0x883, v0  }
0x9: {  	s16 =	simm.s32 $0x8200;
	s17 =	simm.s32 $0x3;
	s18 =	simm.s32 $0x0;
	v15 =	vadd.s32 $0x1103, v0;
	v16 =	vadd.s32 $0x1983, v0;
	v17 =	vor.u32 $0x4, v0  }
0xa: {  	[smem:$0x7FF] =	sst s3;
	s6 =	sand.u32 $0x1, s6;
	s7 =	sshll.u32 s2, $0x1;
	v18 =	vadd.s32 $0x884, v0;
	v19 =	vadd.s32 $0x1104, v0;
	v20 =	vadd.s32 $0x1984, v0  }
0xb: {  	s4 =	sadd.s32 $0x600, s4;
	s8 =	ssub.s32 $0x2, s6;
	s6 =	sor.u32 s6, s7;
	v21 =	vor.u32 $0x5, v0;
	v22 =	vadd.s32 $0x885, v0;
	v23 =	vadd.s32 $0x1105, v0  }
0xc: {  	_ =	strace $0x80000047;
	s31 =	sshrl.u32 s8, $0x1;
	s9 =	sshll.u32 s6, $0xA;
	v24 =	vadd.s32 $0x1985, v0;
	v25 =	vor.u32 $0x6, v0;
	v26 =	vadd.s32 $0x886, v0  }
0xd: {  	s6 =	sshll.u32 s6, $0x13;
	v27 =	vadd.s32 $0x1106, v0;
	v28 =	vadd.s32 $0x1986, v0;
	v29 =	vor.u32 $0x7, v0;
	s7 =	ssub.s32 s8, s31;
	s5 =	sadd.s32 s5, s9  }
0xe: {  	v30 =	vadd.s32 $0x887, v0;
	v31 =	vadd.s32 $0x1107, v0;
	v32 =	vadd.s32 $0x1987, v0;
	s8 =	simm.s32 $0x5;
	s9 =	simm.s32 $0x80;
	s7 =	smax.u32 s7, $0x1  }
.LBB2_1:
0xf: {  	[tilespmem:s3], [sflag:$0x5] =	stream.linear.gather [hbm4b:s5+s3], $0x2000, $0x38;
	[tilespmem:$0xA400] =	vst v63  }
0x10: {  	_ =	swait.ge [sflag:s8], $0x2000  }
0x11: {  	[sflag:s8] =	ssyncset.done $0x0  }
0x12: {  	s19 =	simm.s32 $0x0;
	[sflag:s8] =	ssyncadd.s32 $0xFFFFE000  }
0x13: {  	[tilespmem:s10], [sflag:$0x1] =	stream.indirect.gather [hbm4b:s4+s9], $0x40, s3, s9, $0xb8;
	[tilespmem:$0xA400] =	vst v63  }
.LBB2_2:
0x14: {  	s22 =	sshll.u32 s19, $0x1  }
0x15: {  	s20 =	sand.u32 $0x2, s22  }
0x16: {  	s21 =	sshll.u32 s19, $0x8;
	s20 =	sor.u32 $0x1, s20  }
0x17: {  	s21 =	sand.u32 $0x3FFFFE00, s21;
	s23 =	sshll.u32 s20, $0x7  }
0x18: {  	s21 =	sor.u32 s23, s21  }
0x19: {  	[tilespmem:s11], [sflag:$0x2] =	stream.indirect.gather [hbm4b:s4+s9], $0x40, s21, s9, $0xb8;
	[tilespmem:$0xA400] =	vst v63  }
0x1a: {  	_ =	swait.ge [sflag:s12], $0x2000  }
0x1b: {  	p0 =	seq.s32 s19, $0x0;
	[sflag:s12] =	ssyncset.done $0x0  }
0x1c: {  	s23 =	simm.s32 @!p0 $0x3;
	[sflag:s12] =	ssyncadd.s32 $0xFFFFE000  }
0x1d: {  	_ =	swait.ge @!p0 [sflag:s23], $0x2000  }
0x1e: {  	s24 =	simm.s32 $0x2200;
	[sflag:s23] =	ssyncset.done @!p0 $0x0  }
0x1f: {  	s21 =	sshrl.u32 s19, $0x1;
	[sflag:s23] =	ssyncadd.s32 @!p0 $0xFFFFE000;
	s23 =	simm.s32 $0xF  }
.LBB2_3:
0x20: {  	v33 =	vld [tilespmem:s24+$0xFFFFFE00]  }
0x21: {  	v34 =	vld [tilespmem:s24+$0xFFFFFE10]  }
0x22: {  	v35 =	vld [tilespmem:s24+$0xFFFFFE20]  }
0x23: {  	v36 =	vld [tilespmem:s24+$0xFFFFFE30]  }
0x24: {  	v37 =	vld [tilespmem:s24+$0xFFFFFE40];
	s25 =	sadd.s32 $0xFFFFFFF1, s23  }
0x25: {  	v38 =	vld [tilespmem:s24+$0xFFFFFE50];
	v40 =	vmov s25  }
0x26: {  	v39 =	vld [tilespmem:s24+$0xFFFFFE60];
	v40 =	vshrl.u32 v40, $0x3  }
0x27: {  	v41 =	vld [tilespmem:s24+$0xFFFFFE70];
	v40 =	vshll.u32 v40, v1  }
0x28: {  	v42 =	vld [tilespmem:s24+$0xFFFFFE80];
	s28 =	sadd.s32 $0xFFFFFFF2, s23;
	v40 =	vbroadcast v40, $0x0  }
0x29: {  	v43 =	vld [tilespmem:s24+$0xFFFFFE90];
	v45 =	vmov s28  }
0x2a: {  	v44 =	vld [tilespmem:s24+$0xFFFFFEA0];
	v45 =	vshrl.u32 v45, $0x3;
	v47 =	vadd.s32 v0, v40  }
0x2b: {  	v46 =	vld [tilespmem:s24+$0xFFFFFEB0];
	v45 =	vshll.u32 v45, v1;
	v49 =	vadd.s32 v2, v40  }
0x2c: {  	v48 =	vld [tilespmem:s24+$0xFFFFFEC0];
	s29 =	sadd.s32 $0xFFFFFFF3, s23;
	v45 =	vbroadcast v45, $0x0;
	v51 =	vadd.s32 v3, v40  }
0x2d: {  	v50 =	vld [tilespmem:s24+$0xFFFFFED0];
	v53 =	vmov s29;
	v40 =	vadd.s32 v4, v40  }
0x2e: {  	v52 =	vld [tilespmem:s24+$0xFFFFFEE0];
	v53 =	vshrl.u32 v53, $0x3;
	v55 =	vadd.s32 v5, v45  }
0x2f: {  	v54 =	vld [tilespmem:s24+$0xFFFFFEF0];
	v56 =	vshll.u32 v53, v1;
	v63 =	vadd.s32 v6, v45;
	[tilespmem:v47+s13+$0x0] =	vst.idx.msk $0xffff, v33  }
0x30: {  	s30 =	sadd.s32 $0xFFFFFFF4, s23;
	v57 =	vadd.s32 v7, v45;
	v47 =	vbroadcast v56, $0x0;
	[tilespmem:v49+s13+$0x0] =	vst.idx.msk $0xffff, v34  }
0x31: {  	v59 =	vmov s30;
	v58 =	vadd.s32 v8, v45;
	[tilespmem:v51+s13+$0x0] =	vst.idx.msk $0xffff, v35  }
0x32: {  	v61 =	vshrl.u32 v59, $0x3;
	v60 =	vadd.s32 v9, v47;
	[tilespmem:v40+s13+$0x0] =	vst.idx.msk $0xffff, v36  }
0x33: {  	v62 =	vadd.s32 v10, v47;
	v40 =	vshll.u32 v61, v1;
	[tilespmem:v55+s13+$0x0] =	vst.idx.msk $0xffff, v37  }
0x34: {  	v45 =	vbroadcast v40, $0x0;
	[tilespmem:v63+s13+$0x0] =	vst.idx.msk $0xffff, v38;
	v63 =	vadd.s32 v11, v47  }
0x35: {  	v49 =	vadd.s32 v12, v47;
	[tilespmem:v57+s13+$0x0] =	vst.idx.msk $0xffff, v39  }
0x36: {  	v51 =	vadd.s32 v13, v45;
	[tilespmem:v58+s13+$0x0] =	vst.idx.msk $0xffff, v41  }
0x37: {  	v53 =	vadd.s32 v14, v45;
	[tilespmem:v60+s13+$0x0] =	vst.idx.msk $0xffff, v42  }
0x38: {  	v55 =	vadd.s32 v15, v45;
	[tilespmem:v62+s13+$0x0] =	vst.idx.msk $0xffff, v43  }
0x39: {  	v56 =	vadd.s32 v16, v45;
	[tilespmem:v63+s13+$0x0] =	vst.idx.msk $0xffff, v44  }
0x3a: {  	[tilespmem:v49+s13+$0x0] =	vst.idx.msk $0xffff, v46  }
0x3b: {  	[tilespmem:v51+s13+$0x0] =	vst.idx.msk $0xffff, v48  }
0x3c: {  	[tilespmem:v53+s13+$0x0] =	vst.idx.msk $0xffff, v50  }
0x3d: {  	[tilespmem:v55+s13+$0x0] =	vst.idx.msk $0xffff, v52  }
0x3e: {  	[tilespmem:v56+s13+$0x0] =	vst.idx.msk $0xffff, v54  }
0x3f: {  	v33 =	vld [tilespmem:s24+$0xFFFFFF00]  }
0x40: {  	v34 =	vld [tilespmem:s24+$0xFFFFFF10]  }
0x41: {  	v35 =	vld [tilespmem:s24+$0xFFFFFF20]  }
0x42: {  	v36 =	vld [tilespmem:s24+$0xFFFFFF30]  }
0x43: {  	s31 =	sadd.s32 $0xFFFFFFF5, s23;
	v37 =	vld [tilespmem:s24+$0xFFFFFF40]  }
0x44: {  	v57 =	vmov s31;
	v38 =	vld [tilespmem:s24+$0xFFFFFF50]  }
0x45: {  	v40 =	vshrl.u32 v57, $0x3;
	v39 =	vld [tilespmem:s24+$0xFFFFFF60]  }
0x46: {  	v40 =	vshll.u32 v40, v1;
	v41 =	vld [tilespmem:s24+$0xFFFFFF70]  }
0x47: {  	s26 =	sadd.s32 $0xFFFFFFF6, s23;
	v40 =	vbroadcast v40, $0x0;
	v42 =	vld [tilespmem:s24+$0xFFFFFF80]  }
0x48: {  	v58 =	vmov s26;
	v43 =	vld [tilespmem:s24+$0xFFFFFF90]  }
0x49: {  	v45 =	vshrl.u32 v58, $0x3;
	v59 =	vadd.s32 v17, v40;
	v44 =	vld [tilespmem:s24+$0xFFFFFFA0]  }
0x4a: {  	v45 =	vshll.u32 v45, v1;
	v60 =	vadd.s32 v18, v40;
	v46 =	vld [tilespmem:s24+$0xFFFFFFB0]  }
0x4b: {  	s28 =	sadd.s32 $0xFFFFFFF7, s23;
	v45 =	vbroadcast v45, $0x0;
	v61 =	vadd.s32 v19, v40;
	v48 =	vld [tilespmem:s24+$0xFFFFFFC0]  }
0x4c: {  	v62 =	vmov s28;
	v40 =	vadd.s32 v20, v40;
	v50 =	vld [tilespmem:s24+$0xFFFFFFD0]  }
0x4d: {  	v63 =	vadd.s32 v21, v45;
	v53 =	vshrl.u32 v62, $0x3;
	v52 =	vld [tilespmem:s24+$0xFFFFFFE0]  }
0x4e: {  	v57 =	vshll.u32 v53, v1;
	v56 =	vadd.s32 v22, v45;
	v54 =	vld [tilespmem:s24+$0xFFFFFFF0];
	[tilespmem:v59+s13+$0x0] =	vst.idx.msk $0xffff, v33  }
0x4f: {  	s29 =	sadd.s32 $0xFFFFFFF8, s23;
	v58 =	vadd.s32 v23, v45;
	v47 =	vbroadcast v57, $0x0;
	[tilespmem:v60+s13+$0x0] =	vst.idx.msk $0xffff, v34  }
0x50: {  	v59 =	vadd.s32 v24, v45;
	v60 =	vmov s29;
	[tilespmem:v61+s13+$0x0] =	vst.idx.msk $0xffff, v35  }
0x51: {  	v61 =	vadd.s32 v25, v47;
	v62 =	vshrl.u32 v60, $0x3;
	[tilespmem:v40+s13+$0x0] =	vst.idx.msk $0xffff, v36  }
0x52: {  	v40 =	vshll.u32 v62, v1;
	[tilespmem:v63+s13+$0x0] =	vst.idx.msk $0xffff, v37;
	v63 =	vadd.s32 v26, v47  }
0x53: {  	v45 =	vadd.s32 v27, v47;
	v49 =	vbroadcast v40, $0x0;
	[tilespmem:v56+s13+$0x0] =	vst.idx.msk $0xffff, v38  }
0x54: {  	v51 =	vadd.s32 v28, v47;
	[tilespmem:v58+s13+$0x0] =	vst.idx.msk $0xffff, v39  }
0x55: {  	v53 =	vadd.s32 v29, v49;
	[tilespmem:v59+s13+$0x0] =	vst.idx.msk $0xffff, v41  }
0x56: {  	v55 =	vadd.s32 v30, v49;
	[tilespmem:v61+s13+$0x0] =	vst.idx.msk $0xffff, v42  }
0x57: {  	v56 =	vadd.s32 v31, v49;
	[tilespmem:v63+s13+$0x0] =	vst.idx.msk $0xffff, v43  }
0x58: {  	v57 =	vadd.s32 v32, v49;
	[tilespmem:v45+s13+$0x0] =	vst.idx.msk $0xffff, v44  }
0x59: {  	[tilespmem:v51+s13+$0x0] =	vst.idx.msk $0xffff, v46  }
0x5a: {  	[tilespmem:v53+s13+$0x0] =	vst.idx.msk $0xffff, v48  }
0x5b: {  	[tilespmem:v55+s13+$0x0] =	vst.idx.msk $0xffff, v50  }
0x5c: {  	[tilespmem:v56+s13+$0x0] =	vst.idx.msk $0xffff, v52  }
0x5d: {  	[tilespmem:v57+s13+$0x0] =	vst.idx.msk $0xffff, v54  }
0x5e: {  	v33 =	vld [tilespmem:s24+$0x0]  }
0x5f: {  	v34 =	vld [tilespmem:s24+$0x10]  }
0x60: {  	v35 =	vld [tilespmem:s24+$0x20]  }
0x61: {  	v36 =	vld [tilespmem:s24+$0x30]  }
0x62: {  	s30 =	sadd.s32 $0xFFFFFFF9, s23;
	v37 =	vld [tilespmem:s24+$0x40]  }
0x63: {  	v58 =	vmov s30;
	v38 =	vld [tilespmem:s24+$0x50]  }
0x64: {  	v40 =	vshrl.u32 v58, $0x3;
	v39 =	vld [tilespmem:s24+$0x60]  }
0x65: {  	v40 =	vshll.u32 v40, v1;
	v41 =	vld [tilespmem:s24+$0x70]  }
0x66: {  	s31 =	sadd.s32 $0xFFFFFFFA, s23;
	v40 =	vbroadcast v40, $0x0;
	v42 =	vld [tilespmem:s24+$0x80]  }
0x67: {  	v59 =	vmov s31;
	v43 =	vld [tilespmem:s24+$0x90]  }
0x68: {  	v45 =	vshrl.u32 v59, $0x3;
	v60 =	vadd.s32 v0, v40;
	v44 =	vld [tilespmem:s24+$0xA0]  }
0x69: {  	v61 =	vadd.s32 v2, v40;
	v45 =	vshll.u32 v45, v1;
	v46 =	vld [tilespmem:s24+$0xB0]  }
0x6a: {  	s26 =	sadd.s32 $0xFFFFFFFB, s23;
	v62 =	vadd.s32 v3, v40;
	v45 =	vbroadcast v45, $0x0;
	v48 =	vld [tilespmem:s24+$0xC0]  }
0x6b: {  	v63 =	vmov s26;
	v40 =	vadd.s32 v4, v40;
	v50 =	vld [tilespmem:s24+$0xD0]  }
0x6c: {  	v53 =	vshrl.u32 v63, $0x3;
	v57 =	vadd.s32 v5, v45;
	v52 =	vld [tilespmem:s24+$0xE0]  }
0x6d: {  	v59 =	vshll.u32 v53, v1;
	v58 =	vadd.s32 v6, v45;
	v54 =	vld [tilespmem:s24+$0xF0];
	[tilespmem:v60+s13+$0x0] =	vst.idx.msk $0xffff, v33  }
0x6e: {  	s28 =	sadd.s32 $0xFFFFFFFC, s23;
	v47 =	vbroadcast v59, $0x0;
	v60 =	vadd.s32 v7, v45;
	[tilespmem:v61+s13+$0x0] =	vst.idx.msk $0xffff, v34  }
0x6f: {  	v61 =	vadd.s32 v8, v45;
	[tilespmem:v62+s13+$0x0] =	vst.idx.msk $0xffff, v35;
	v62 =	vmov s28  }
0x70: {  	v63 =	vadd.s32 v9, v47;
	[tilespmem:v40+s13+$0x0] =	vst.idx.msk $0xffff, v36;
	v45 =	vshrl.u32 v62, $0x3  }
0x71: {  	v49 =	vadd.s32 v10, v47;
	[tilespmem:v57+s13+$0x0] =	vst.idx.msk $0xffff, v37;
	v40 =	vshll.u32 v45, v1  }
0x72: {  	v51 =	vadd.s32 v11, v47;
	[tilespmem:v58+s13+$0x0] =	vst.idx.msk $0xffff, v38;
	v53 =	vbroadcast v40, $0x0  }
0x73: {  	v55 =	vadd.s32 v12, v47;
	[tilespmem:v60+s13+$0x0] =	vst.idx.msk $0xffff, v39  }
0x74: {  	[tilespmem:v61+s13+$0x0] =	vst.idx.msk $0xffff, v41;
	v56 =	vadd.s32 v13, v53  }
0x75: {  	v57 =	vadd.s32 v14, v53;
	[tilespmem:v63+s13+$0x0] =	vst.idx.msk $0xffff, v42  }
0x76: {  	v58 =	vadd.s32 v15, v53;
	[tilespmem:v49+s13+$0x0] =	vst.idx.msk $0xffff, v43  }
0x77: {  	v59 =	vadd.s32 v16, v53;
	[tilespmem:v51+s13+$0x0] =	vst.idx.msk $0xffff, v44  }
0x78: {  	[tilespmem:v55+s13+$0x0] =	vst.idx.msk $0xffff, v46  }
0x79: {  	[tilespmem:v56+s13+$0x0] =	vst.idx.msk $0xffff, v48  }
0x7a: {  	[tilespmem:v57+s13+$0x0] =	vst.idx.msk $0xffff, v50  }
0x7b: {  	[tilespmem:v58+s13+$0x0] =	vst.idx.msk $0xffff, v52  }
0x7c: {  	[tilespmem:v59+s13+$0x0] =	vst.idx.msk $0xffff, v54  }
0x7d: {  	v33 =	vld [tilespmem:s24+$0x100]  }
0x7e: {  	v34 =	vld [tilespmem:s24+$0x110]  }
0x7f: {  	v35 =	vld [tilespmem:s24+$0x120]  }
0x80: {  	v36 =	vld [tilespmem:s24+$0x130]  }
0x81: {  	s29 =	sadd.s32 $0xFFFFFFFD, s23;
	v37 =	vld [tilespmem:s24+$0x140]  }
0x82: {  	v60 =	vmov s29;
	v38 =	vld [tilespmem:s24+$0x150]  }
0x83: {  	v40 =	vshrl.u32 v60, $0x3;
	v39 =	vld [tilespmem:s24+$0x160]  }
0x84: {  	v40 =	vshll.u32 v40, v1;
	v41 =	vld [tilespmem:s24+$0x170]  }
0x85: {  	s30 =	sadd.s32 $0xFFFFFFFE, s23;
	v40 =	vbroadcast v40, $0x0;
	v42 =	vld [tilespmem:s24+$0x180]  }
0x86: {  	v61 =	vmov s30;
	v43 =	vld [tilespmem:s24+$0x190]  }
0x87: {  	v45 =	vshrl.u32 v61, $0x3;
	v62 =	vadd.s32 v17, v40;
	v44 =	vld [tilespmem:s24+$0x1A0]  }
0x88: {  	v45 =	vshll.u32 v45, v1;
	v63 =	vadd.s32 v18, v40;
	v46 =	vld [tilespmem:s24+$0x1B0]  }
0x89: {  	s31 =	sadd.s32 $0xFFFFFFFF, s23;
	v45 =	vbroadcast v45, $0x0;
	v57 =	vadd.s32 v19, v40;
	v48 =	vld [tilespmem:s24+$0x1C0]  }
0x8a: {  	v40 =	vadd.s32 v20, v40;
	v58 =	vmov s31;
	v50 =	vld [tilespmem:s24+$0x1D0]  }
0x8b: {  	v59 =	vadd.s32 v21, v45;
	v53 =	vshrl.u32 v58, $0x3;
	v52 =	vld [tilespmem:s24+$0x1E0]  }
0x8c: {  	v60 =	vadd.s32 v22, v45;
	v54 =	vld [tilespmem:s24+$0x1F0];
	v61 =	vshll.u32 v53, v1;
	[tilespmem:v62+s13+$0x0] =	vst.idx.msk $0xffff, v33  }
0x8d: {  	v47 =	vbroadcast v61, $0x0;
	v62 =	vadd.s32 v23, v45;
	[tilespmem:v63+s13+$0x0] =	vst.idx.msk $0xffff, v34  }
0x8e: {  	v49 =	vmov s23;
	v63 =	vadd.s32 v24, v45;
	[tilespmem:v57+s13+$0x0] =	vst.idx.msk $0xffff, v35  }
0x8f: {  	v53 =	vshrl.u32 v49, $0x3;
	v51 =	vadd.s32 v25, v47;
	[tilespmem:v40+s13+$0x0] =	vst.idx.msk $0xffff, v36  }
0x90: {  	v56 =	vadd.s32 v26, v47;
	v40 =	vshll.u32 v53, v1;
	[tilespmem:v59+s13+$0x0] =	vst.idx.msk $0xffff, v37  }
0x91: {  	v57 =	vadd.s32 v27, v47;
	v58 =	vbroadcast v40, $0x0;
	[tilespmem:v60+s13+$0x0] =	vst.idx.msk $0xffff, v38  }
0x92: {  	v59 =	vadd.s32 v28, v47;
	[tilespmem:v62+s13+$0x0] =	vst.idx.msk $0xffff, v39  }
0x93: {  	v60 =	vadd.s32 v29, v58;
	[tilespmem:v63+s13+$0x0] =	vst.idx.msk $0xffff, v41  }
0x94: {  	v61 =	vadd.s32 v30, v58;
	[tilespmem:v51+s13+$0x0] =	vst.idx.msk $0xffff, v42  }
0x95: {  	v62 =	vadd.s32 v31, v58;
	[tilespmem:v56+s13+$0x0] =	vst.idx.msk $0xffff, v43  }
0x96: {  	p1 =	sne.s32 s23, $0x7F;
	v63 =	vadd.s32 v32, v58;
	[tilespmem:v57+s13+$0x0] =	vst.idx.msk $0xffff, v44  }
.Ltmp0:
0x97: {  	[tilespmem:v59+s13+$0x0] =	vst.idx.msk $0xffff, v46;
	(pc) =	sbr.rel @p1 .LBB2_3-.Ltmp0, $4  }
0x98: {  	[tilespmem:v60+s13+$0x0] =	vst.idx.msk $0xffff, v48  }
0x99: {  	[tilespmem:v61+s13+$0x0] =	vst.idx.msk $0xffff, v50  }
0x9a: {  	[tilespmem:v62+s13+$0x0] =	vst.idx.msk $0xffff, v52  }
0x9b: {  	s23 =	sadd.s32 $0x10, s23;
	s24 =	sadd.s32 $0x400, s24;
	[tilespmem:v63+s13+$0x0] =	vst.idx.msk $0xffff, v54  }
0x9c: {  	s23 =	sshll.u32 s19, $0x9;
	s24 =	sshll.u32 s19, $0x12  }
0x9d: {  	s23 =	sand.u32 $0x3C00, s23;
	s24 =	sand.u32 $0x40000, s24  }
0x9e: {  	s23 =	sor.u32 s24, s23  }
0x9f: {  	s23 =	sor.u32 s6, s23  }
0xa0: {  	s23 =	sshrl.u32 s23, $0x3  }
0xa1: {  	s26 =	simm.s32 $0x6000;
	s24 =	sadd.s32 s1, s23  }
0xa2: {  	[hbm4b:s24+s3] =	stream.linear.scatter [tilespmem:s26], [sflag:$0x3], $0x80, $0x38;
	[tilespmem:$0xA400] =	vst v63  }
0xa3: {  	s29 =	simm.s32 $0x6088;
	s25 =	sadd.s32 $0x10, s24  }
0xa4: {  	[hbm4b:s25+s3] =	stream.linear.scatter [tilespmem:s29], [sflag:$0x3], $0x80, $0x38;
	[tilespmem:$0xA400] =	vst v63  }
0xa5: {  	s30 =	simm.s32 $0x6110;
	s23 =	simm.s32 $0x440;
	s31 =	sadd.s32 $0x20, s24  }
0xa6: {  	[hbm4b:s31+s3] =	stream.linear.scatter [tilespmem:s30], [sflag:$0x3], $0x80, $0x38;
	[tilespmem:$0xA400] =	vst v63  }
0xa7: {  	s26 =	simm.s32 $0x6198;
	s28 =	sadd.s32 $0x70, s24;
	s29 =	sadd.s32 $0x30, s24  }
0xa8: {  	[hbm4b:s29+s3] =	stream.linear.scatter [tilespmem:s26], [sflag:$0x3], $0x80, $0x38;
	[tilespmem:$0xA400] =	vst v63  }
0xa9: {  	s25 =	simm.s32 $0x2200;
	s30 =	simm.s32 $0x6220;
	s31 =	sadd.s32 $0x40, s24  }
0xaa: {  	[hbm4b:s31+s3] =	stream.linear.scatter [tilespmem:s30], [sflag:$0x3], $0x80, $0x38;
	[tilespmem:$0xA400] =	vst v63  }
0xab: {  	s26 =	simm.s32 $0x62A8;
	s29 =	sadd.s32 $0x50, s24;
	s30 =	simm.s32 $0x6330  }
0xac: {  	[hbm4b:s29+s3] =	stream.linear.scatter [tilespmem:s26], [sflag:$0x3], $0x80, $0x38;
	[tilespmem:$0xA400] =	vst v63  }
0xad: {  	s31 =	sadd.s32 $0x60, s24;
	s24 =	sadd.s32 $0x800, s24;
	s26 =	simm.s32 $0x63B8  }
0xae: {  	[hbm4b:s31+s3] =	stream.linear.scatter [tilespmem:s30], [sflag:$0x3], $0x80, $0x38;
	[tilespmem:$0xA400] =	vst v63  }
.LBB2_5:
0xaf: {  	[hbm4b:s28+s3] =	stream.linear.scatter [tilespmem:s26], [sflag:$0x3], $0x80, $0x38;
	[tilespmem:$0xA400] =	vst v63  }
0xb0: {  	s26 =	smov.u32 s23;
	s23 =	smov.u32 s25  }
0xb1: {  	s29 =	sadd.s32 $0x1100, s25;
	s23 =	sshra.s32 s23, $0x2;
	s28 =	sadd.s32 $0x6000, s26  }
0xb2: {  	[hbm4b:s24+s3] =	stream.linear.scatter [tilespmem:s28], [sflag:$0x3], $0x80, $0x38;
	[tilespmem:$0xA400] =	vst v63  }
0xb3: {  	p1 =	sne.s32 s25, $0x7700;
	s25 =	sadd.s32 $0x6088, s26;
	s28 =	sadd.s32 $0x10, s24  }
0xb4: {  	[hbm4b:s28+s3] =	stream.linear.scatter [tilespmem:s25], [sflag:$0x3], $0x80, $0x38;
	[tilespmem:$0xA400] =	vst v63  }
0xb5: {  	s25 =	sadd.s32 $0x6110, s26;
	s28 =	sadd.s32 $0x20, s24  }
0xb6: {  	[hbm4b:s28+s3] =	stream.linear.scatter [tilespmem:s25], [sflag:$0x3], $0x80, $0x38;
	[tilespmem:$0xA400] =	vst v63  }
0xb7: {  	s25 =	sadd.s32 $0x6198, s26;
	s28 =	sadd.s32 $0x30, s24  }
0xb8: {  	[hbm4b:s28+s3] =	stream.linear.scatter [tilespmem:s25], [sflag:$0x3], $0x80, $0x38;
	[tilespmem:$0xA400] =	vst v63  }
0xb9: {  	s25 =	sadd.s32 $0x6220, s26;
	s28 =	sadd.s32 $0x40, s24  }
0xba: {  	[hbm4b:s28+s3] =	stream.linear.scatter [tilespmem:s25], [sflag:$0x3], $0x80, $0x38;
	[tilespmem:$0xA400] =	vst v63  }
.Ltmp1:
0xbb: {  	s25 =	sadd.s32 $0x62A8, s26;
	s28 =	sadd.s32 $0x50, s24;
	(pc) =	sbr.rel @p1 .LBB2_5-.Ltmp1, $4  }
0xbc: {  	[hbm4b:s28+s3] =	stream.linear.scatter [tilespmem:s25], [sflag:$0x3], $0x80, $0x38;
	[tilespmem:$0xA400] =	vst v63  }
0xbd: {  	s25 =	sadd.s32 $0x6330, s26;
	s28 =	sadd.s32 $0x60, s24;
	s26 =	sadd.s32 $0x63B8, s26  }
0xbe: {  	[hbm4b:s28+s3] =	stream.linear.scatter [tilespmem:s25], [sflag:$0x3], $0x80, $0x38;
	[tilespmem:$0xA400] =	vst v63  }
0xbf: {  	s28 =	sadd.s32 $0x70, s24;
	s24 =	sadd.s32 $0x800, s24;
	s25 =	smov.u32 s29  }
0xc0: {  	[hbm4b:s28+s3] =	stream.linear.scatter [tilespmem:s26], [sflag:$0x3], $0x80, $0x38;
	[tilespmem:$0xA400] =	vst v63  }
0xc1: {  	s25 =	sadd.s32 $0x6000, s23  }
0xc2: {  	[hbm4b:s24+s3] =	stream.linear.scatter [tilespmem:s25], [sflag:$0x3], $0x80, $0x38;
	[tilespmem:$0xA400] =	vst v63  }
0xc3: {  	s30 =	sadd.s32 $0x6088, s23;
	s31 =	sadd.s32 $0x10, s24  }
0xc4: {  	[hbm4b:s31+s3] =	stream.linear.scatter [tilespmem:s30], [sflag:$0x3], $0x80, $0x38;
	[tilespmem:$0xA400] =	vst v63  }
0xc5: {  	s28 =	sadd.s32 $0x6110, s23;
	s29 =	sadd.s32 $0x20, s24  }
0xc6: {  	[hbm4b:s29+s3] =	stream.linear.scatter [tilespmem:s28], [sflag:$0x3], $0x80, $0x38;
	[tilespmem:$0xA400] =	vst v63  }
0xc7: {  	s30 =	sadd.s32 $0x6198, s23;
	s31 =	sadd.s32 $0x30, s24  }
0xc8: {  	[hbm4b:s31+s3] =	stream.linear.scatter [tilespmem:s30], [sflag:$0x3], $0x80, $0x38;
	[tilespmem:$0xA400] =	vst v63  }
0xc9: {  	s28 =	sadd.s32 $0x6220, s23;
	s29 =	sadd.s32 $0x40, s24  }
0xca: {  	[hbm4b:s29+s3] =	stream.linear.scatter [tilespmem:s28], [sflag:$0x3], $0x80, $0x38;
	[tilespmem:$0xA400] =	vst v63  }
0xcb: {  	p1 =	sne.s32 s19, $0x1F;
	s30 =	sadd.s32 $0x62A8, s23;
	s31 =	sadd.s32 $0x50, s24  }
0xcc: {  	[hbm4b:s31+s3] =	stream.linear.scatter [tilespmem:s30], [sflag:$0x3], $0x80, $0x38;
	[tilespmem:$0xA400] =	vst v63  }
.Ltmp2:
0xcd: {  	_ = 	snop;
	(pc) =	sbr.rel @p1 .LBB2_8-.Ltmp2, $4  }
0xce: {  	s28 =	sadd.s32 $0x6330, s23;
	s29 =	sadd.s32 $0x60, s24  }
0xcf: {  	[hbm4b:s29+s3] =	stream.linear.scatter [tilespmem:s28], [sflag:$0x3], $0x80, $0x38;
	[tilespmem:$0xA400] =	vst v63  }
0xd0: {  	s30 =	sadd.s32 $0x63B8, s23;
	s31 =	sadd.s32 $0x70, s24  }
0xd1: {  	[hbm4b:s31+s3] =	stream.linear.scatter [tilespmem:s30], [sflag:$0x3], $0x80, $0x38;
	[tilespmem:$0xA400] =	vst v63  }
.Ltmp3:
0xd2: {  	(pc) =	sbr.rel .LBB2_9-.Ltmp3, $4  }
0xd3: {  	_ = 	snop  }
0xd4: {  	_ =	swait.ge [sflag:s14], $0x2000  }
0xd5: {  	[sflag:s14] =	ssyncset.done $0x0  }
0xd6: {  	[sflag:s14] =	ssyncadd.s32 $0xFFFFE000  }
.LBB2_8:
0xd7: {  	s22 =	sshll.u32 s22, $0x7  }
0xd8: {  	s22 =	sadd.s32 $0x100, s22  }
.Ltmp4:
0xd9: {  	s22 =	sand.u32 $0x3F00, s22;
	(pc) =	sbr.rel @p0 .LBB2_10-.Ltmp4, $4  }
0xda: {  	[tilespmem:s10], [sflag:$0x1] =	stream.indirect.gather [hbm4b:s4+s9], $0x40, s22, s9, $0xb8;
	[tilespmem:$0xA400] =	vst v63  }
0xdb: {  	_ =	swait.ge [sflag:s14], $0x2000  }
0xdc: {  	[sflag:s14] =	ssyncset.done $0x0  }
0xdd: {  	[sflag:s14] =	ssyncadd.s32 $0xFFFFE000  }
.LBB2_9:
0xde: {  	_ =	swait.ge [sflag:s15], $0x2000  }
0xdf: {  	[sflag:s15] =	ssyncset.done $0x0  }
0xe0: {  	[sflag:s15] =	ssyncadd.s32 $0xFFFFE000  }
.LBB2_10:
0xe1: {  	s22 =	simm.s32 $0xF;
	s23 =	simm.s32 $0x4200  }
.LBB2_11:
0xe2: {  	v33 =	vld [tilespmem:s23+$0xFFFFFE00]  }
0xe3: {  	v34 =	vld [tilespmem:s23+$0xFFFFFE10]  }
0xe4: {  	v35 =	vld [tilespmem:s23+$0xFFFFFE20]  }
0xe5: {  	v36 =	vld [tilespmem:s23+$0xFFFFFE30]  }
0xe6: {  	v37 =	vld [tilespmem:s23+$0xFFFFFE40];
	s24 =	sadd.s32 $0xFFFFFFF1, s22  }
0xe7: {  	v38 =	vld [tilespmem:s23+$0xFFFFFE50];
	v40 =	vmov s24  }
0xe8: {  	v39 =	vld [tilespmem:s23+$0xFFFFFE60];
	v40 =	vshrl.u32 v40, $0x3  }
0xe9: {  	v41 =	vld [tilespmem:s23+$0xFFFFFE70];
	v40 =	vshll.u32 v40, v1  }
0xea: {  	v42 =	vld [tilespmem:s23+$0xFFFFFE80];
	s30 =	sadd.s32 $0xFFFFFFF2, s22;
	v40 =	vbroadcast v40, $0x0  }
0xeb: {  	v43 =	vld [tilespmem:s23+$0xFFFFFE90];
	v45 =	vmov s30  }
0xec: {  	v44 =	vld [tilespmem:s23+$0xFFFFFEA0];
	v45 =	vshrl.u32 v45, $0x3;
	v47 =	vadd.s32 v0, v40  }
0xed: {  	v46 =	vld [tilespmem:s23+$0xFFFFFEB0];
	v45 =	vshll.u32 v45, v1;
	v49 =	vadd.s32 v2, v40  }
0xee: {  	v48 =	vld [tilespmem:s23+$0xFFFFFEC0];
	s31 =	sadd.s32 $0xFFFFFFF3, s22;
	v45 =	vbroadcast v45, $0x0;
	v51 =	vadd.s32 v3, v40  }
0xef: {  	v50 =	vld [tilespmem:s23+$0xFFFFFED0];
	v53 =	vmov s31;
	v40 =	vadd.s32 v4, v40  }
0xf0: {  	v52 =	vld [tilespmem:s23+$0xFFFFFEE0];
	v53 =	vshrl.u32 v53, $0x3;
	v55 =	vadd.s32 v5, v45  }
0xf1: {  	v54 =	vld [tilespmem:s23+$0xFFFFFEF0];
	v56 =	vshll.u32 v53, v1;
	v63 =	vadd.s32 v6, v45;
	[tilespmem:v47+s16+$0x0] =	vst.idx.msk $0xffff, v33  }
0xf2: {  	s25 =	sadd.s32 $0xFFFFFFF4, s22;
	v57 =	vadd.s32 v7, v45;
	v47 =	vbroadcast v56, $0x0;
	[tilespmem:v49+s16+$0x0] =	vst.idx.msk $0xffff, v34  }
0xf3: {  	v59 =	vmov s25;
	v58 =	vadd.s32 v8, v45;
	[tilespmem:v51+s16+$0x0] =	vst.idx.msk $0xffff, v35  }
0xf4: {  	v61 =	vshrl.u32 v59, $0x3;
	v60 =	vadd.s32 v9, v47;
	[tilespmem:v40+s16+$0x0] =	vst.idx.msk $0xffff, v36  }
0xf5: {  	v62 =	vadd.s32 v10, v47;
	v40 =	vshll.u32 v61, v1;
	[tilespmem:v55+s16+$0x0] =	vst.idx.msk $0xffff, v37  }
0xf6: {  	v45 =	vbroadcast v40, $0x0;
	[tilespmem:v63+s16+$0x0] =	vst.idx.msk $0xffff, v38;
	v63 =	vadd.s32 v11, v47  }
0xf7: {  	v49 =	vadd.s32 v12, v47;
	[tilespmem:v57+s16+$0x0] =	vst.idx.msk $0xffff, v39  }
0xf8: {  	v51 =	vadd.s32 v13, v45;
	[tilespmem:v58+s16+$0x0] =	vst.idx.msk $0xffff, v41  }
0xf9: {  	v53 =	vadd.s32 v14, v45;
	[tilespmem:v60+s16+$0x0] =	vst.idx.msk $0xffff, v42  }
0xfa: {  	v55 =	vadd.s32 v15, v45;
	[tilespmem:v62+s16+$0x0] =	vst.idx.msk $0xffff, v43  }
0xfb: {  	v56 =	vadd.s32 v16, v45;
	[tilespmem:v63+s16+$0x0] =	vst.idx.msk $0xffff, v44  }
0xfc: {  	[tilespmem:v49+s16+$0x0] =	vst.idx.msk $0xffff, v46  }
0xfd: {  	[tilespmem:v51+s16+$0x0] =	vst.idx.msk $0xffff, v48  }
0xfe: {  	[tilespmem:v53+s16+$0x0] =	vst.idx.msk $0xffff, v50  }
0xff: {  	[tilespmem:v55+s16+$0x0] =	vst.idx.msk $0xffff, v52  }
0x100: {  	[tilespmem:v56+s16+$0x0] =	vst.idx.msk $0xffff, v54  }
0x101: {  	v33 =	vld [tilespmem:s23+$0xFFFFFF00]  }
0x102: {  	v34 =	vld [tilespmem:s23+$0xFFFFFF10]  }
0x103: {  	v35 =	vld [tilespmem:s23+$0xFFFFFF20]  }
0x104: {  	v36 =	vld [tilespmem:s23+$0xFFFFFF30]  }
0x105: {  	s26 =	sadd.s32 $0xFFFFFFF5, s22;
	v37 =	vld [tilespmem:s23+$0xFFFFFF40]  }
0x106: {  	v57 =	vmov s26;
	v38 =	vld [tilespmem:s23+$0xFFFFFF50]  }
0x107: {  	v40 =	vshrl.u32 v57, $0x3;
	v39 =	vld [tilespmem:s23+$0xFFFFFF60]  }
0x108: {  	v40 =	vshll.u32 v40, v1;
	v41 =	vld [tilespmem:s23+$0xFFFFFF70]  }
0x109: {  	s28 =	sadd.s32 $0xFFFFFFF6, s22;
	v40 =	vbroadcast v40, $0x0;
	v42 =	vld [tilespmem:s23+$0xFFFFFF80]  }
0x10a: {  	v58 =	vmov s28;
	v43 =	vld [tilespmem:s23+$0xFFFFFF90]  }
0x10b: {  	v45 =	vshrl.u32 v58, $0x3;
	v59 =	vadd.s32 v17, v40;
	v44 =	vld [tilespmem:s23+$0xFFFFFFA0]  }
0x10c: {  	v45 =	vshll.u32 v45, v1;
	v60 =	vadd.s32 v18, v40;
	v46 =	vld [tilespmem:s23+$0xFFFFFFB0]  }
0x10d: {  	s29 =	sadd.s32 $0xFFFFFFF7, s22;
	v45 =	vbroadcast v45, $0x0;
	v61 =	vadd.s32 v19, v40;
	v48 =	vld [tilespmem:s23+$0xFFFFFFC0]  }
0x10e: {  	v62 =	vmov s29;
	v40 =	vadd.s32 v20, v40;
	v50 =	vld [tilespmem:s23+$0xFFFFFFD0]  }
0x10f: {  	v63 =	vadd.s32 v21, v45;
	v53 =	vshrl.u32 v62, $0x3;
	v52 =	vld [tilespmem:s23+$0xFFFFFFE0]  }
0x110: {  	v57 =	vshll.u32 v53, v1;
	v56 =	vadd.s32 v22, v45;
	v54 =	vld [tilespmem:s23+$0xFFFFFFF0];
	[tilespmem:v59+s16+$0x0] =	vst.idx.msk $0xffff, v33  }
0x111: {  	s30 =	sadd.s32 $0xFFFFFFF8, s22;
	v58 =	vadd.s32 v23, v45;
	v47 =	vbroadcast v57, $0x0;
	[tilespmem:v60+s16+$0x0] =	vst.idx.msk $0xffff, v34  }
0x112: {  	v59 =	vadd.s32 v24, v45;
	v60 =	vmov s30;
	[tilespmem:v61+s16+$0x0] =	vst.idx.msk $0xffff, v35  }
0x113: {  	v61 =	vadd.s32 v25, v47;
	v62 =	vshrl.u32 v60, $0x3;
	[tilespmem:v40+s16+$0x0] =	vst.idx.msk $0xffff, v36  }
0x114: {  	v40 =	vshll.u32 v62, v1;
	[tilespmem:v63+s16+$0x0] =	vst.idx.msk $0xffff, v37;
	v63 =	vadd.s32 v26, v47  }
0x115: {  	v45 =	vadd.s32 v27, v47;
	v49 =	vbroadcast v40, $0x0;
	[tilespmem:v56+s16+$0x0] =	vst.idx.msk $0xffff, v38  }
0x116: {  	v51 =	vadd.s32 v28, v47;
	[tilespmem:v58+s16+$0x0] =	vst.idx.msk $0xffff, v39  }
0x117: {  	v53 =	vadd.s32 v29, v49;
	[tilespmem:v59+s16+$0x0] =	vst.idx.msk $0xffff, v41  }
0x118: {  	v55 =	vadd.s32 v30, v49;
	[tilespmem:v61+s16+$0x0] =	vst.idx.msk $0xffff, v42  }
0x119: {  	v56 =	vadd.s32 v31, v49;
	[tilespmem:v63+s16+$0x0] =	vst.idx.msk $0xffff, v43  }
0x11a: {  	v57 =	vadd.s32 v32, v49;
	[tilespmem:v45+s16+$0x0] =	vst.idx.msk $0xffff, v44  }
0x11b: {  	[tilespmem:v51+s16+$0x0] =	vst.idx.msk $0xffff, v46  }
0x11c: {  	[tilespmem:v53+s16+$0x0] =	vst.idx.msk $0xffff, v48  }
0x11d: {  	[tilespmem:v55+s16+$0x0] =	vst.idx.msk $0xffff, v50  }
0x11e: {  	[tilespmem:v56+s16+$0x0] =	vst.idx.msk $0xffff, v52  }
0x11f: {  	[tilespmem:v57+s16+$0x0] =	vst.idx.msk $0xffff, v54  }
0x120: {  	v33 =	vld [tilespmem:s23+$0x0]  }
0x121: {  	v34 =	vld [tilespmem:s23+$0x10]  }
0x122: {  	v35 =	vld [tilespmem:s23+$0x20]  }
0x123: {  	v36 =	vld [tilespmem:s23+$0x30]  }
0x124: {  	s31 =	sadd.s32 $0xFFFFFFF9, s22;
	v37 =	vld [tilespmem:s23+$0x40]  }
0x125: {  	v58 =	vmov s31;
	v38 =	vld [tilespmem:s23+$0x50]  }
0x126: {  	v40 =	vshrl.u32 v58, $0x3;
	v39 =	vld [tilespmem:s23+$0x60]  }
0x127: {  	v40 =	vshll.u32 v40, v1;
	v41 =	vld [tilespmem:s23+$0x70]  }
0x128: {  	s25 =	sadd.s32 $0xFFFFFFFA, s22;
	v40 =	vbroadcast v40, $0x0;
	v42 =	vld [tilespmem:s23+$0x80]  }
0x129: {  	v59 =	vmov s25;
	v43 =	vld [tilespmem:s23+$0x90]  }
0x12a: {  	v45 =	vshrl.u32 v59, $0x3;
	v60 =	vadd.s32 v0, v40;
	v44 =	vld [tilespmem:s23+$0xA0]  }
0x12b: {  	v61 =	vadd.s32 v2, v40;
	v45 =	vshll.u32 v45, v1;
	v46 =	vld [tilespmem:s23+$0xB0]  }
0x12c: {  	s26 =	sadd.s32 $0xFFFFFFFB, s22;
	v62 =	vadd.s32 v3, v40;
	v45 =	vbroadcast v45, $0x0;
	v48 =	vld [tilespmem:s23+$0xC0]  }
0x12d: {  	v63 =	vmov s26;
	v40 =	vadd.s32 v4, v40;
	v50 =	vld [tilespmem:s23+$0xD0]  }
0x12e: {  	v53 =	vshrl.u32 v63, $0x3;
	v57 =	vadd.s32 v5, v45;
	v52 =	vld [tilespmem:s23+$0xE0]  }
0x12f: {  	v59 =	vshll.u32 v53, v1;
	v58 =	vadd.s32 v6, v45;
	v54 =	vld [tilespmem:s23+$0xF0];
	[tilespmem:v60+s16+$0x0] =	vst.idx.msk $0xffff, v33  }
0x130: {  	s28 =	sadd.s32 $0xFFFFFFFC, s22;
	v47 =	vbroadcast v59, $0x0;
	v60 =	vadd.s32 v7, v45;
	[tilespmem:v61+s16+$0x0] =	vst.idx.msk $0xffff, v34  }
0x131: {  	v61 =	vadd.s32 v8, v45;
	[tilespmem:v62+s16+$0x0] =	vst.idx.msk $0xffff, v35;
	v62 =	vmov s28  }
0x132: {  	v63 =	vadd.s32 v9, v47;
	[tilespmem:v40+s16+$0x0] =	vst.idx.msk $0xffff, v36;
	v45 =	vshrl.u32 v62, $0x3  }
0x133: {  	v49 =	vadd.s32 v10, v47;
	[tilespmem:v57+s16+$0x0] =	vst.idx.msk $0xffff, v37;
	v40 =	vshll.u32 v45, v1  }
0x134: {  	v51 =	vadd.s32 v11, v47;
	[tilespmem:v58+s16+$0x0] =	vst.idx.msk $0xffff, v38;
	v53 =	vbroadcast v40, $0x0  }
0x135: {  	v55 =	vadd.s32 v12, v47;
	[tilespmem:v60+s16+$0x0] =	vst.idx.msk $0xffff, v39  }
0x136: {  	[tilespmem:v61+s16+$0x0] =	vst.idx.msk $0xffff, v41;
	v56 =	vadd.s32 v13, v53  }
0x137: {  	v57 =	vadd.s32 v14, v53;
	[tilespmem:v63+s16+$0x0] =	vst.idx.msk $0xffff, v42  }
0x138: {  	v58 =	vadd.s32 v15, v53;
	[tilespmem:v49+s16+$0x0] =	vst.idx.msk $0xffff, v43  }
0x139: {  	v59 =	vadd.s32 v16, v53;
	[tilespmem:v51+s16+$0x0] =	vst.idx.msk $0xffff, v44  }
0x13a: {  	[tilespmem:v55+s16+$0x0] =	vst.idx.msk $0xffff, v46  }
0x13b: {  	[tilespmem:v56+s16+$0x0] =	vst.idx.msk $0xffff, v48  }
0x13c: {  	[tilespmem:v57+s16+$0x0] =	vst.idx.msk $0xffff, v50  }
0x13d: {  	[tilespmem:v58+s16+$0x0] =	vst.idx.msk $0xffff, v52  }
0x13e: {  	[tilespmem:v59+s16+$0x0] =	vst.idx.msk $0xffff, v54  }
0x13f: {  	v33 =	vld [tilespmem:s23+$0x100]  }
0x140: {  	v34 =	vld [tilespmem:s23+$0x110]  }
0x141: {  	v35 =	vld [tilespmem:s23+$0x120]  }
0x142: {  	v36 =	vld [tilespmem:s23+$0x130]  }
0x143: {  	s29 =	sadd.s32 $0xFFFFFFFD, s22;
	v37 =	vld [tilespmem:s23+$0x140]  }
0x144: {  	v60 =	vmov s29;
	v38 =	vld [tilespmem:s23+$0x150]  }
0x145: {  	v40 =	vshrl.u32 v60, $0x3;
	v39 =	vld [tilespmem:s23+$0x160]  }
0x146: {  	v40 =	vshll.u32 v40, v1;
	v41 =	vld [tilespmem:s23+$0x170]  }
0x147: {  	s30 =	sadd.s32 $0xFFFFFFFE, s22;
	v40 =	vbroadcast v40, $0x0;
	v42 =	vld [tilespmem:s23+$0x180]  }
0x148: {  	v61 =	vmov s30;
	v43 =	vld [tilespmem:s23+$0x190]  }
0x149: {  	v45 =	vshrl.u32 v61, $0x3;
	v62 =	vadd.s32 v17, v40;
	v44 =	vld [tilespmem:s23+$0x1A0]  }
0x14a: {  	v45 =	vshll.u32 v45, v1;
	v63 =	vadd.s32 v18, v40;
	v46 =	vld [tilespmem:s23+$0x1B0]  }
0x14b: {  	s31 =	sadd.s32 $0xFFFFFFFF, s22;
	v45 =	vbroadcast v45, $0x0;
	v57 =	vadd.s32 v19, v40;
	v48 =	vld [tilespmem:s23+$0x1C0]  }
0x14c: {  	v40 =	vadd.s32 v20, v40;
	v58 =	vmov s31;
	v50 =	vld [tilespmem:s23+$0x1D0]  }
0x14d: {  	v59 =	vadd.s32 v21, v45;
	v53 =	vshrl.u32 v58, $0x3;
	v52 =	vld [tilespmem:s23+$0x1E0]  }
0x14e: {  	v60 =	vadd.s32 v22, v45;
	v54 =	vld [tilespmem:s23+$0x1F0];
	v61 =	vshll.u32 v53, v1;
	[tilespmem:v62+s16+$0x0] =	vst.idx.msk $0xffff, v33  }
0x14f: {  	v47 =	vbroadcast v61, $0x0;
	v62 =	vadd.s32 v23, v45;
	[tilespmem:v63+s16+$0x0] =	vst.idx.msk $0xffff, v34  }
0x150: {  	v49 =	vmov s22;
	v63 =	vadd.s32 v24, v45;
	[tilespmem:v57+s16+$0x0] =	vst.idx.msk $0xffff, v35  }
0x151: {  	v53 =	vshrl.u32 v49, $0x3;
	v51 =	vadd.s32 v25, v47;
	[tilespmem:v40+s16+$0x0] =	vst.idx.msk $0xffff, v36  }
0x152: {  	v56 =	vadd.s32 v26, v47;
	v40 =	vshll.u32 v53, v1;
	[tilespmem:v59+s16+$0x0] =	vst.idx.msk $0xffff, v37  }
0x153: {  	v57 =	vadd.s32 v27, v47;
	v58 =	vbroadcast v40, $0x0;
	[tilespmem:v60+s16+$0x0] =	vst.idx.msk $0xffff, v38  }
0x154: {  	v59 =	vadd.s32 v28, v47;
	[tilespmem:v62+s16+$0x0] =	vst.idx.msk $0xffff, v39  }
0x155: {  	v60 =	vadd.s32 v29, v58;
	[tilespmem:v63+s16+$0x0] =	vst.idx.msk $0xffff, v41  }
0x156: {  	v61 =	vadd.s32 v30, v58;
	[tilespmem:v51+s16+$0x0] =	vst.idx.msk $0xffff, v42  }
0x157: {  	v62 =	vadd.s32 v31, v58;
	[tilespmem:v56+s16+$0x0] =	vst.idx.msk $0xffff, v43  }
0x158: {  	p0 =	sne.s32 s22, $0x7F;
	v63 =	vadd.s32 v32, v58;
	[tilespmem:v57+s16+$0x0] =	vst.idx.msk $0xffff, v44  }
.Ltmp5:
0x159: {  	[tilespmem:v59+s16+$0x0] =	vst.idx.msk $0xffff, v46;
	(pc) =	sbr.rel @p0 .LBB2_11-.Ltmp5, $4  }
0x15a: {  	[tilespmem:v60+s16+$0x0] =	vst.idx.msk $0xffff, v48  }
0x15b: {  	[tilespmem:v61+s16+$0x0] =	vst.idx.msk $0xffff, v50  }
0x15c: {  	[tilespmem:v62+s16+$0x0] =	vst.idx.msk $0xffff, v52  }
0x15d: {  	s22 =	sadd.s32 $0x10, s22;
	s23 =	sadd.s32 $0x400, s23;
	[tilespmem:v63+s16+$0x0] =	vst.idx.msk $0xffff, v54  }
0x15e: {  	s21 =	sshll.u32 s21, $0xA;
	s20 =	sshll.u32 s20, $0x11  }
0x15f: {  	s20 =	sadd.s32 s21, s20  }
0x160: {  	s20 =	sadd.s32 s6, s20  }
0x161: {  	s20 =	sshrl.u32 s20, $0x3  }
0x162: {  	s28 =	simm.s32 $0x8200;
	s21 =	sadd.s32 s1, s20  }
0x163: {  	[hbm4b:s21+s3] =	stream.linear.scatter [tilespmem:s28], [sflag:$0x4], $0x80, $0x38;
	[tilespmem:$0xA400] =	vst v63  }
0x164: {  	s29 =	simm.s32 $0x8288;
	s22 =	sadd.s32 $0x10, s21  }
0x165: {  	[hbm4b:s22+s3] =	stream.linear.scatter [tilespmem:s29], [sflag:$0x4], $0x80, $0x38;
	[tilespmem:$0xA400] =	vst v63  }
0x166: {  	s30 =	simm.s32 $0x8310;
	s23 =	simm.s32 $0x8398;
	s31 =	sadd.s32 $0x20, s21  }
0x167: {  	[hbm4b:s31+s3] =	stream.linear.scatter [tilespmem:s30], [sflag:$0x4], $0x80, $0x38;
	[tilespmem:$0xA400] =	vst v63  }
0x168: {  	s25 =	simm.s32 $0x8420;
	s20 =	simm.s32 $0x440;
	s24 =	sadd.s32 $0x30, s21  }
0x169: {  	[hbm4b:s24+s3] =	stream.linear.scatter [tilespmem:s23], [sflag:$0x4], $0x80, $0x38;
	[tilespmem:$0xA400] =	vst v63  }
0x16a: {  	s26 =	sadd.s32 $0x40, s21;
	s28 =	simm.s32 $0x84A8;
	s29 =	sadd.s32 $0x50, s21  }
0x16b: {  	[hbm4b:s26+s3] =	stream.linear.scatter [tilespmem:s25], [sflag:$0x4], $0x80, $0x38;
	[tilespmem:$0xA400] =	vst v63  }
0x16c: {  	s22 =	simm.s32 $0x2200;
	s30 =	simm.s32 $0x8530;
	s31 =	sadd.s32 $0x60, s21  }
0x16d: {  	[hbm4b:s29+s3] =	stream.linear.scatter [tilespmem:s28], [sflag:$0x4], $0x80, $0x38;
	[tilespmem:$0xA400] =	vst v63  }
0x16e: {  	s23 =	simm.s32 $0x85B8;
	s24 =	sadd.s32 $0x70, s21;
	s21 =	sadd.s32 $0x800, s21  }
0x16f: {  	[hbm4b:s31+s3] =	stream.linear.scatter [tilespmem:s30], [sflag:$0x4], $0x80, $0x38;
	[tilespmem:$0xA400] =	vst v63  }
.LBB2_13:
0x170: {  	[hbm4b:s24+s3] =	stream.linear.scatter [tilespmem:s23], [sflag:$0x4], $0x80, $0x38;
	[tilespmem:$0xA400] =	vst v63  }
0x171: {  	s23 =	smov.u32 s20;
	s20 =	smov.u32 s22  }
0x172: {  	s25 =	sadd.s32 $0x1100, s22;
	s20 =	sshra.s32 s20, $0x2;
	s24 =	sadd.s32 $0x8200, s23  }
0x173: {  	[hbm4b:s21+s3] =	stream.linear.scatter [tilespmem:s24], [sflag:$0x4], $0x80, $0x38;
	[tilespmem:$0xA400] =	vst v63  }
0x174: {  	p0 =	sne.s32 s22, $0x7700;
	s22 =	sadd.s32 $0x8288, s23;
	s24 =	sadd.s32 $0x10, s21  }
0x175: {  	[hbm4b:s24+s3] =	stream.linear.scatter [tilespmem:s22], [sflag:$0x4], $0x80, $0x38;
	[tilespmem:$0xA400] =	vst v63  }
0x176: {  	s22 =	sadd.s32 $0x8310, s23;
	s24 =	sadd.s32 $0x20, s21  }
0x177: {  	[hbm4b:s24+s3] =	stream.linear.scatter [tilespmem:s22], [sflag:$0x4], $0x80, $0x38;
	[tilespmem:$0xA400] =	vst v63  }
0x178: {  	s22 =	sadd.s32 $0x8398, s23;
	s24 =	sadd.s32 $0x30, s21  }
0x179: {  	[hbm4b:s24+s3] =	stream.linear.scatter [tilespmem:s22], [sflag:$0x4], $0x80, $0x38;
	[tilespmem:$0xA400] =	vst v63  }
0x17a: {  	s22 =	sadd.s32 $0x8420, s23;
	s24 =	sadd.s32 $0x40, s21  }
0x17b: {  	[hbm4b:s24+s3] =	stream.linear.scatter [tilespmem:s22], [sflag:$0x4], $0x80, $0x38;
	[tilespmem:$0xA400] =	vst v63  }
.Ltmp6:
0x17c: {  	s22 =	sadd.s32 $0x84A8, s23;
	s24 =	sadd.s32 $0x50, s21;
	(pc) =	sbr.rel @p0 .LBB2_13-.Ltmp6, $4  }
0x17d: {  	[hbm4b:s24+s3] =	stream.linear.scatter [tilespmem:s22], [sflag:$0x4], $0x80, $0x38;
	[tilespmem:$0xA400] =	vst v63  }
0x17e: {  	s22 =	sadd.s32 $0x8530, s23;
	s24 =	sadd.s32 $0x60, s21;
	s23 =	sadd.s32 $0x85B8, s23  }
0x17f: {  	[hbm4b:s24+s3] =	stream.linear.scatter [tilespmem:s22], [sflag:$0x4], $0x80, $0x38;
	[tilespmem:$0xA400] =	vst v63  }
0x180: {  	s24 =	sadd.s32 $0x70, s21;
	s21 =	sadd.s32 $0x800, s21;
	s22 =	smov.u32 s25  }
0x181: {  	[hbm4b:s24+s3] =	stream.linear.scatter [tilespmem:s23], [sflag:$0x4], $0x80, $0x38;
	[tilespmem:$0xA400] =	vst v63  }
0x182: {  	s22 =	sadd.s32 $0x8200, s20  }
0x183: {  	[hbm4b:s21+s3] =	stream.linear.scatter [tilespmem:s22], [sflag:$0x4], $0x80, $0x38;
	[tilespmem:$0xA400] =	vst v63  }
0x184: {  	s25 =	sadd.s32 $0x8288, s20;
	s26 =	sadd.s32 $0x10, s21  }
0x185: {  	[hbm4b:s26+s3] =	stream.linear.scatter [tilespmem:s25], [sflag:$0x4], $0x80, $0x38;
	[tilespmem:$0xA400] =	vst v63  }
0x186: {  	s28 =	sadd.s32 $0x8310, s20;
	s29 =	sadd.s32 $0x20, s21  }
0x187: {  	[hbm4b:s29+s3] =	stream.linear.scatter [tilespmem:s28], [sflag:$0x4], $0x80, $0x38;
	[tilespmem:$0xA400] =	vst v63  }
0x188: {  	s30 =	sadd.s32 $0x8398, s20;
	s31 =	sadd.s32 $0x30, s21  }
0x189: {  	[hbm4b:s31+s3] =	stream.linear.scatter [tilespmem:s30], [sflag:$0x4], $0x80, $0x38;
	[tilespmem:$0xA400] =	vst v63  }
0x18a: {  	s23 =	sadd.s32 $0x8420, s20;
	s24 =	sadd.s32 $0x40, s21;
	s19 =	sadd.s32 $0x1, s19  }
0x18b: {  	[hbm4b:s24+s3] =	stream.linear.scatter [tilespmem:s23], [sflag:$0x4], $0x80, $0x38;
	[tilespmem:$0xA400] =	vst v63  }
0x18c: {  	p0 =	sne.s32 s19, $0x20;
	s25 =	sadd.s32 $0x84A8, s20;
	s26 =	sadd.s32 $0x50, s21  }
0x18d: {  	[hbm4b:s26+s3] =	stream.linear.scatter [tilespmem:s25], [sflag:$0x4], $0x80, $0x38;
	[tilespmem:$0xA400] =	vst v63  }
.Ltmp7:
0x18e: {  	_ = 	snop;
	(pc) =	sbr.rel @p0 .LBB2_2-.Ltmp7, $4  }
0x18f: {  	s28 =	sadd.s32 $0x8530, s20;
	s29 =	sadd.s32 $0x60, s21  }
0x190: {  	[hbm4b:s29+s3] =	stream.linear.scatter [tilespmem:s28], [sflag:$0x4], $0x80, $0x38;
	[tilespmem:$0xA400] =	vst v63  }
0x191: {  	s30 =	sadd.s32 $0x85B8, s20;
	s31 =	sadd.s32 $0x70, s21  }
0x192: {  	[hbm4b:s31+s3] =	stream.linear.scatter [tilespmem:s30], [sflag:$0x4], $0x80, $0x38;
	[tilespmem:$0xA400] =	vst v63  }
0x193: {  	s18 =	sadd.s32 $0x1, s18  }
0x194: {  	_ =	swait.ge [sflag:s17], $0x2000;
	p0 =	sne.s32 s18, s7  }
.Ltmp8:
0x195: {  	[sflag:s17] =	ssyncset.done $0x0;
	(pc) =	sbr.rel @p0 .LBB2_1-.Ltmp8, $4  }
0x196: {  	[sflag:s17] =	ssyncadd.s32 $0xFFFFE000  }
0x197: {  	_ =	swait.ge [sflag:s15], $0x2000  }
0x198: {  	[sflag:s15] =	ssyncset.done $0x0  }
0x199: {  	[sflag:s15] =	ssyncadd.s32 $0xFFFFE000  }
0x19a: {  	_ =	sfence.sel $0x180000  }
0x19b: {  	[bflag:$0x0] =	sbarrier.arrive $0xFFFF  }
0x19c: {  	p0 =	sne.s32 s2, $0x0;
	_ =	strace $0x90000047  }
0x19d: {  	s0 =	sadd.s32 @!p0 $0x100000, s0;
	[bflag:$0x2] =	sbarrier.arrive $0xFFFF  }
0x19e: {  	[sflag:s0] =	ssyncadd.tile.s32 @!p0 $0x1;
	_ =	shalt  }
.Lfunc_end2:
_tile_overlayer_lowered:
.L_overlay_start_2:
0x19f: {  	(tag) =	ssettag $0x2  }
0x1a0: {  	s0 =	rddreg [dreg:$0x0];
	s2 =	stileid.u32  }
0x1a1: {  	s1 =	rddreg [dreg:$0x1];
	p0 =	sne.s32 s2, $0x0  }
0x1a2: {  	s3 =	rddreg [dreg:$0x2];
	[bflag:$0x3] =	sbarrier.arrive $0xFFFF;
	s2 =	simm.s32 @!p0 $0x1C05  }
0x1a3: {  	[timem:s3], [sflag:s2] =	dma.local @!p0 [hbm:s0], s1  }
0x1a4: {  	s0 =	simm.s32 @!p0 $0x5  }
0x1a5: {  	_ =	swait.ge @!p0 [sflag:s0], s1  }
0x1a6: {  	s1 =	ssub.s32 @!p0 $0x0, s1;
	[sflag:s0] =	ssyncset.done @!p0 $0x0  }
0x1a7: {  	[sflag:s0] =	ssyncadd.s32 @!p0 s1  }
0x1a8: {  	[bflag:$0x3] =	sbarrier.arrive $0xFFFF  }
0x1a9: {  	_ =	shalt  }

</sc_bundles>
